<compile_context>
chip_gen: v7x
topology: tpu7x:2x2x1
jax: 0.10.2.dev20260603
libtpu: 0.0.44.dev20260713+nightly
codegen_flags: <defaults>
</compile_context>

<pallas_src>
import functools

import jax
import jax.numpy as jnp
import numpy as np
from jax import lax
from jax.experimental import pallas as pl
from jax.experimental.pallas import tpu as pltpu
from jax.experimental.pallas import tpu_sc as plsc

_NUM_CLASSES = 51
_PAD_CLASSES = 64
_FEAT = 1024
_N = 16384
_HEAD = (0, 31, 20, 48, 30, 22, 29, 8, 50, 21)

_SC_ROWS = 4096
_TC_ROWS = _N - _SC_ROWS
_SC_CHUNK = 16
_TC_BLOCK = 2048


def _class_weights() -> np.ndarray:
    w = np.zeros((_PAD_CLASSES, 8), dtype=np.float32)
    head = set(_HEAD)
    for k in range(_NUM_CLASSES):
        fg = 1.0 if k != 0 else 0.0
        hm = 1.0 if k in head else 0.0
        w[k, 0] = fg
        w[k, 1] = fg * hm
        w[k, 2] = fg * (1.0 - hm)
    w[:, 3] = np.arange(_PAD_CLASSES, dtype=np.float32)
    return w



def _tc_body(x_ref, lbl_ref, cen_ref, w_ref, out_ref):
    xb = x_ref[...]
    lbl = lbl_ref[0]
    bsz = xb.shape[0]

    cls = jax.lax.broadcasted_iota(jnp.int32, (_PAD_CLASSES, bsz), 0)
    oh = (cls == lbl).astype(jnp.float32)

    cnorm = jnp.sum(cen_ref[...] * cen_ref[...], axis=1, keepdims=True)
    wlane = jax.lax.broadcasted_iota(jnp.int32, (_PAD_CLASSES, 8), 1)
    wall = jnp.where(wlane == 7, cnorm, w_ref[...])
    cols = jax.lax.dot_general(
        oh, wall,
        dimension_numbers=(((0,), (0,)), ((), ())),
        preferred_element_type=jnp.float32,
    )
    w_fg = cols[:, 0:1]
    w_h = cols[:, 1:2]
    w_nh = cols[:, 2:3]
    lblf = cols[:, 3:4]
    csq = cols[:, 7:8]

    p = jax.lax.dot_general(
        xb, cen_ref[...],
        dimension_numbers=(((1,), (1,)), ((), ())),
        preferred_element_type=jnp.float32,
    )
    ones = jnp.ones((_FEAT, 8), jnp.float32)
    xsq = jax.lax.dot_general(
        xb * xb, ones,
        dimension_numbers=(((1,), (0,)), ((), ())),
        preferred_element_type=jnp.float32,
    )[:, 0:1]

    cls2 = jax.lax.broadcasted_iota(jnp.int32, (bsz, _PAD_CLASSES), 1)
    oht = (cls2 == lblf.astype(jnp.int32)).astype(jnp.float32)
    xc = jnp.sum(p * oht, axis=1, keepdims=True)

    d = xsq + csq - 2.0 * xc
    cd = jnp.clip(d, 1e-8, 1e8)

    s1 = jnp.sum(w_fg * cd)
    s2 = jnp.sum(w_h * cd + w_nh * 1e-8)
    s3 = jnp.sum(w_fg)

    rows = jax.lax.broadcasted_iota(jnp.int32, (8, 128), 0)
    blk = jnp.where(rows == 0, s1, jnp.where(rows == 1, s2,
                    jnp.where(rows == 2, s3, 0.0)))
    out_ref[0] = blk


def _tc_partials(x, lbl_tc, cen, w):
    nb = _TC_ROWS // _TC_BLOCK
    return pl.pallas_call(
        _tc_body,
        grid=(nb,),
        in_specs=[
            pl.BlockSpec((_TC_BLOCK, _FEAT), lambda i: (i, 0)),
            pl.BlockSpec((1, 1, _TC_BLOCK), lambda i: (i, 0, 0)),
            pl.BlockSpec((_PAD_CLASSES, _FEAT), lambda i: (0, 0)),
            pl.BlockSpec((_PAD_CLASSES, 8), lambda i: (0, 0)),
        ],
        out_specs=pl.BlockSpec((1, 8, 128), lambda i: (i, 0, 0)),
        out_shape=jax.ShapeDtypeStruct((nb, 8, 128), jnp.float32),
        compiler_params=pltpu.CompilerParams(
            dimension_semantics=("arbitrary",),
        ),
    )(x, lbl_tc, cen, w)



def _sc_partials(x, lbl, cen):
    info = plsc.get_sparse_core_info()
    nw = info.num_cores * info.num_subcores
    rpw = _SC_ROWS // nw
    nchunks = rpw // _SC_CHUNK
    mesh = plsc.VectorSubcoreMesh(core_axis_name="c", subcore_axis_name="s")

    @functools.partial(
        pl.kernel,
        out_type=jax.ShapeDtypeStruct((nw, 3, 16), jnp.float32),
        mesh=mesh,
        scratch_types=[
            pltpu.VMEM((rpw,), jnp.int32),
            pltpu.VMEM((_SC_CHUNK, _FEAT), jnp.float32),
            pltpu.VMEM((_SC_CHUNK, _FEAT), jnp.float32),
            pltpu.VMEM((_SC_CHUNK, 16), jnp.float32),
            pltpu.VMEM((3, 16), jnp.float32),
            pltpu.SemaphoreType.DMA,
        ],
        compiler_params=pltpu.CompilerParams(needs_layout_passes=False),
    )
    def body(x_hbm, lbl_hbm, cen_hbm, out_hbm,
             lbl_v, x_v, c_v, racc_v, stage_v, sem):
        wid = lax.axis_index("s") * info.num_cores + lax.axis_index("c")
        base = _TC_ROWS + wid * rpw
        pltpu.sync_copy(lbl_hbm.at[pl.ds(base, rpw)], lbl_v)

        zero16 = jnp.zeros((16,), jnp.float32)
        one16 = jnp.ones((16,), jnp.float32)
        eps16 = jnp.full((16,), 1e-8, jnp.float32)
        lane = lax.broadcasted_iota(jnp.int32, (16,), 0)

        def chunk_body(t, carry):
            s1, s2, s3 = carry
            row0 = base + t * _SC_CHUNK
            xd = pltpu.async_copy(x_hbm.at[pl.ds(row0, _SC_CHUNK)], x_v, sem)
            cd2 = pltpu.async_copy(
                cen_hbm.at[lbl_v.at[pl.ds(t * _SC_CHUNK, _SC_CHUNK)]], c_v, sem
            )
            xd.wait()
            cd2.wait()
            lbl16 = lbl_v[pl.ds(t * _SC_CHUNK, 16)]

            def row_body(j, acc0):
                accs = [zero16] * 8
                for u in range(_FEAT // 16):
                    xv = x_v[j, pl.ds(u * 16, 16)]
                    cv = c_v[j, pl.ds(u * 16, 16)]
                    df = xv - cv
                    accs[u % 8] = accs[u % 8] + df * df
                racc_v[j] = (((accs[0] + accs[1]) + (accs[2] + accs[3]))
                             + ((accs[4] + accs[5]) + (accs[6] + accs[7])))
                return acc0

            lax.fori_loop(0, _SC_CHUNK, row_body, zero16)

            d16 = zero16
            for u in range(16):
                d16 = d16 + plsc.load_gather(
                    racc_v, [lane, jnp.full((16,), u, jnp.int32)])

            fg = lbl16 != 0
            hd = lbl16 == _HEAD[0]
            for h in _HEAD[1:]:
                hd = hd | (lbl16 == h)
            cd = jnp.minimum(jnp.maximum(d16, 1e-8), 1e8)
            s1 = s1 + jnp.where(fg, cd, zero16)
            s2 = s2 + jnp.where(fg, jnp.where(hd, cd, eps16), zero16)
            s3 = s3 + jnp.where(fg, one16, zero16)
            return s1, s2, s3

        s1, s2, s3 = lax.fori_loop(
            0, nchunks, chunk_body, (zero16, zero16, zero16)
        )
        stage_v[0] = s1
        stage_v[1] = s2
        stage_v[2] = s3
        pltpu.sync_copy(stage_v, out_hbm.at[wid])

    return body(x, lbl, cen)



@jax.jit
def _run(x, cut_labels, centers):
    cen = jnp.zeros((_PAD_CLASSES, _FEAT), jnp.float32).at[:_NUM_CLASSES].set(centers)
    lbl32 = cut_labels.astype(jnp.int32)
    lbl_tc = lbl32[:_TC_ROWS].reshape(_TC_ROWS // _TC_BLOCK, 1, _TC_BLOCK)
    w = jnp.asarray(_class_weights())

    sc = _sc_partials(x, lbl32, cen)
    tc = _tc_partials(x, lbl_tc, cen, w)

    s1 = jnp.sum(tc[:, 0, 0]) + jnp.sum(sc[:, 0, :])
    s2 = jnp.sum(tc[:, 1, 0]) + jnp.sum(sc[:, 1, :])
    cnt = jnp.maximum(jnp.sum(tc[:, 2, 0]) + jnp.sum(sc[:, 2, :]), 1.0)
    r1 = s1 / cnt
    r2 = s2 / cnt
    r1 = jnp.where(jnp.isnan(r1), 0.0, r1)
    r2 = jnp.where(jnp.isnan(r2), 0.0, r2)
    return r1, r2


def kernel(x, cut_labels, logits, labels, centers):
    del logits, labels
    return _run(x, cut_labels, centers)

# --- scband reference (transcript-rebuilt; emitter-appended) ---
"""Pipeline reference for scband-center-loss-12756052869428 (READ-ONLY COPY).

The authoritative reference and input builder live on the scoring server;
editing this copy changes nothing except your own understanding.
"""

import jax, jax.numpy as jnp
import numpy as np

NUM_CLASSES = 51
FEAT_DIM = 1024
NUM_HEAD = 10
PRED_FRE = [0, 31, 20, 48, 30, 22, 29, 8, 50, 21, 1, 43, 49, 40, 23, 38, 41, 6, 7, 33, 11, 46, 16, 47, 25, 19, 5, 9, 35, 24, 10, 4, 14, 13, 12, 36, 44, 42, 32, 2, 26, 28, 45, 3, 17, 18, 34, 37, 27, 39, 15]


def setup_inputs(seed: int = 0):
    key = jax.random.key(seed)
    k1, k2, k3, k4, k5 = jax.random.split(key, 5)
    N = 16384
    x = jax.random.normal(k1, (N, FEAT_DIM), dtype=jnp.float32)
    cut_labels = jax.random.randint(k2, (N,), 0, NUM_CLASSES)
    logits = jax.random.normal(k3, (N, NUM_CLASSES), dtype=jnp.float32)
    labels = jax.random.randint(k4, (N,), 0, NUM_CLASSES)
    centers = jax.random.normal(k5, (NUM_CLASSES, FEAT_DIM), dtype=jnp.float32)
    return {"x": x, "cut_labels": cut_labels, "logits": logits, "labels": labels, "centers": centers}


def reference(x, cut_labels, logits, labels, centers):
    # fg selection mask replaces torch boolean indexing (data-dependent shapes)
    fg = cut_labels != 0
    fgf = fg.astype(jnp.float32)
    cnt = jnp.maximum(jnp.sum(fgf), 1.0)

    # --- main center update loss: x detached, centers NOT detached ---
    x_det = jax.lax.stop_gradient(x)
    center = jnp.take(centers, cut_labels, axis=0)
    dist = jnp.sum((x_det - center) ** 2, axis=-1)
    dist_c = jnp.clip(dist, 1e-08, 100000000.0)
    center_update = jnp.sum(jnp.where(fg, dist_c, 0.0)) / cnt

    # --- head center loss: x NOT detached, centers detached ---
    head_idx = jnp.asarray(PRED_FRE[:NUM_HEAD], dtype=cut_labels.dtype)
    head_mask = jnp.any(cut_labels[:, None] == head_idx[None, :], axis=-1).astype(jnp.float32)
    center_h = jax.lax.stop_gradient(jnp.take(centers, cut_labels, axis=0))
    dist_h = jnp.sum((x - center_h) ** 2, axis=-1) * head_mask
    dist_hc = jnp.clip(dist_h, 1e-08, 100000000.0)
    head_ct_loss = jnp.sum(jnp.where(fg, dist_hc, 0.0)) / cnt

    center_update = jnp.where(jnp.isnan(center_update), 0.0, center_update)
    head_ct_loss = jnp.where(jnp.isnan(head_ct_loss), 0.0, head_ct_loss)
    return (center_update, head_ct_loss)

if __name__ == "__main__":
    import jax
    _d = setup_inputs()
    print(jax.jit(kernel)(*tuple(_d.values())))

</pallas_src>

<mosaic_0001>
#map = affine_map<(d0, d1) -> (0, 0)>
#map1 = affine_map<(d0, d1) -> (0)>
#map2 = affine_map<(d0, d1) -> (0, 0, 0)>
module attributes {stable_mosaic.version = 14 : i64} {
  func.func @body(%arg0: i32, %arg1: i32, %arg2: memref<16384x1024xf32, #tpu.memory_space<hbm>>, %arg3: memref<16384xi32, #tpu.memory_space<hbm>>, %arg4: memref<64x1024xf32, #tpu.memory_space<hbm>>, %arg5: memref<32x3x16xf32, #tpu.memory_space<hbm>>, %arg6: memref<128xi32, #tpu.memory_space<vmem>>, %arg7: memref<16x1024xf32, #tpu.memory_space<vmem>>, %arg8: memref<16x1024xf32, #tpu.memory_space<vmem>>, %arg9: memref<16x16xf32, #tpu.memory_space<vmem>>, %arg10: memref<3x16xf32, #tpu.memory_space<vmem>>, %arg11: memref<!tpu.dma_semaphore, #tpu.memory_space<semaphore_mem>>) attributes {dimension_semantics = [#tpu.dimension_semantics<core_parallel>, #tpu.dimension_semantics<subcore_parallel>], iteration_bounds = array<i64: 2, 16>, scalar_prefetch = 0 : i64, scratch_operands = 6 : i64, tpu.core_type = #tpu.core_type<sc_vector_subcore>, window_params = [{transform_indices = #map}, {transform_indices = #map1}, {transform_indices = #map}, {transform_indices = #map2}]} {
    %mul3A = arith.constant 2 : i32
    %mul3A_0 = arith.muli %arg1, %mul3A : i32
    %add3A = arith.addi %mul3A_0, %arg0 : i32
    %mul3A_1 = arith.constant 128 : i32
    %mul3A_2 = arith.muli %add3A, %mul3A_1 : i32
    %add3A_3 = arith.constant 12288 : i32
    %add3A_4 = arith.addi %add3A_3, %mul3A_2 : i32
    "tpu.region"() ({
      %run_scoped3A = tpu.sem_alloc : memref<!tpu.dma_semaphore, #tpu.memory_space<semaphore_mem>>
      %dma_start3A = tpu.memref_slice %arg3[%add3A_4] : memref<16384xi32, #tpu.memory_space<hbm>> -> memref<128xi32, #tpu.memory_space<hbm>>
      %dma_start3A_26 = tpu.memref_slice %arg3[%add3A_4] : memref<16384xi32, #tpu.memory_space<hbm>> -> memref<128xi32, #tpu.memory_space<hbm>>
      tpu.enqueue_dma source(%dma_start3A_26 : memref<128xi32, #tpu.memory_space<hbm>>) target(%arg6 : memref<128xi32, #tpu.memory_space<vmem>>) target_semaphore(%run_scoped3A : memref<!tpu.dma_semaphore, #tpu.memory_space<semaphore_mem>>)
      %dma_wait3A = tpu.memref_slice %arg3[%add3A_4] : memref<16384xi32, #tpu.memory_space<hbm>> -> memref<128xi32, #tpu.memory_space<hbm>>
      %dma_wait3A_27 = tpu.memref_slice %arg3[%add3A_4] : memref<16384xi32, #tpu.memory_space<hbm>> -> memref<128xi32, #tpu.memory_space<hbm>>
      tpu.wait_dma2 semaphore(%run_scoped3A : memref<!tpu.dma_semaphore, #tpu.memory_space<semaphore_mem>>) src(%dma_wait3A_27 : memref<128xi32, #tpu.memory_space<hbm>>) dst(%arg6 : memref<128xi32, #tpu.memory_space<vmem>>)
      tpu.yield
    }) : () -> ()
    %broadcast_in_dim3A = arith.constant 0.000000e+00 : f32
    %broadcast_in_dim3A_5 = vector.broadcast %broadcast_in_dim3A : f32 to vector<16xf32>
    %broadcast_in_dim3A_6 = arith.constant 1.000000e+00 : f32
    %broadcast_in_dim3A_7 = vector.broadcast %broadcast_in_dim3A_6 : f32 to vector<16xf32>
    %broadcast_in_dim3A_8 = arith.constant 9.99999993E-9 : f32
    %broadcast_in_dim3A_9 = vector.broadcast %broadcast_in_dim3A_8 : f32 to vector<16xf32>
    %iota3A = tpu.iota {dimensions = array<i32: 0>} : vector<16xi32>
    %scan3A = arith.constant 0 : i32
    %scan3A_10 = arith.constant 8 : i32
    %scan3A_11 = arith.addi %scan3A, %scan3A_10 : i32
    %scan3A_12 = arith.constant 1 : i32
    %scan3A_13:3 = scf.for %scan3A_26 = %scan3A to %scan3A_11 step %scan3A_12 iter_args(%scan3A_27 = %broadcast_in_dim3A_5, %scan3A_28 = %broadcast_in_dim3A_5, %scan3A_29 = %broadcast_in_dim3A_5) -> (vector<16xf32>, vector<16xf32>, vector<16xf32>)  : i32 {
      %mul3A_30 = arith.constant 16 : i32
      %mul3A_31 = arith.muli %scan3A_26, %mul3A_30 : i32
      %add3A_32 = arith.addi %add3A_4, %mul3A_31 : i32
      %dma_start3A = arith.constant 0 : i32
      %dma_start3A_33 = tpu.memref_slice %arg2[%add3A_32, %dma_start3A] : memref<16384x1024xf32, #tpu.memory_space<hbm>> -> memref<16x1024xf32, #tpu.memory_space<hbm>>
      %dma_start3A_34 = arith.constant 0 : i32
      %dma_start3A_35 = tpu.memref_slice %arg2[%add3A_32, %dma_start3A_34] : memref<16384x1024xf32, #tpu.memory_space<hbm>> -> memref<16x1024xf32, #tpu.memory_space<hbm>>
      tpu.enqueue_dma source(%dma_start3A_35 : memref<16x1024xf32, #tpu.memory_space<hbm>>) target(%arg7 : memref<16x1024xf32, #tpu.memory_space<vmem>>) target_semaphore(%arg11 : memref<!tpu.dma_semaphore, #tpu.memory_space<semaphore_mem>>)
      %mul3A_36 = arith.constant 16 : i32
      %mul3A_37 = arith.muli %scan3A_26, %mul3A_36 : i32
      %dma_start3A_38 = tpu.memref_slice %arg6[%mul3A_37] : memref<128xi32, #tpu.memory_space<vmem>> -> memref<16xi32, #tpu.memory_space<vmem>>
      %dma_start3A_39 = arith.constant 0 : i32
      %dma_start3A_40 = arith.constant 0 : i32
      %dma_start3A_41 = tpu.memref_slice %arg4[%dma_start3A_39, %dma_start3A_40] : memref<64x1024xf32, #tpu.memory_space<hbm>> -> memref<64x1024xf32, #tpu.memory_space<hbm>>
      tpu.enqueue_indirect_dma source(%dma_start3A_41 : memref<64x1024xf32, #tpu.memory_space<hbm>>) target(%arg8 : memref<16x1024xf32, #tpu.memory_space<vmem>>) offsets(%dma_start3A_38 : memref<16xi32, #tpu.memory_space<vmem>>) semaphore(%arg11 : memref<!tpu.dma_semaphore, #tpu.memory_space<semaphore_mem>>)
      %dma_wait3A = arith.constant 0 : i32
      %dma_wait3A_42 = tpu.memref_slice %arg2[%add3A_32, %dma_wait3A] : memref<16384x1024xf32, #tpu.memory_space<hbm>> -> memref<16x1024xf32, #tpu.memory_space<hbm>>
      %dma_wait3A_43 = arith.constant 0 : i32
      %dma_wait3A_44 = tpu.memref_slice %arg2[%add3A_32, %dma_wait3A_43] : memref<16384x1024xf32, #tpu.memory_space<hbm>> -> memref<16x1024xf32, #tpu.memory_space<hbm>>
      tpu.wait_dma2 semaphore(%arg11 : memref<!tpu.dma_semaphore, #tpu.memory_space<semaphore_mem>>) src(%dma_wait3A_44 : memref<16x1024xf32, #tpu.memory_space<hbm>>) dst(%arg7 : memref<16x1024xf32, #tpu.memory_space<vmem>>)
      %dma_wait3A_45 = tpu.memref_slice %arg6[%mul3A_37] : memref<128xi32, #tpu.memory_space<vmem>> -> memref<16xi32, #tpu.memory_space<vmem>>
      %dma_wait3A_46 = arith.constant 0 : i32
      %dma_wait3A_47 = arith.constant 0 : i32
      %dma_wait3A_48 = tpu.memref_slice %arg4[%dma_wait3A_46, %dma_wait3A_47] : memref<64x1024xf32, #tpu.memory_space<hbm>> -> memref<64x1024xf32, #tpu.memory_space<hbm>>
      tpu.wait_indirect_dma semaphore(%arg11 : memref<!tpu.dma_semaphore, #tpu.memory_space<semaphore_mem>>) src(%dma_wait3A_48 : memref<64x1024xf32, #tpu.memory_space<hbm>>) dst(%arg8 : memref<16x1024xf32, #tpu.memory_space<vmem>>)
      %mul3A_49 = arith.constant 16 : i32
      %mul3A_50 = arith.muli %scan3A_26, %mul3A_49 : i32
      %get3A = arith.index_cast %mul3A_50 : i32 to index
      %get3A_51 = tpu.vector_load %arg6[%get3A] {strides = array<i32>} : memref<128xi32, #tpu.memory_space<vmem>>, vector<16xi32>,
      %scan3A_52 = arith.constant 0 : i32
      %scan3A_53 = arith.constant 16 : i32
      %scan3A_54 = arith.addi %scan3A_52, %scan3A_53 : i32
      %scan3A_55 = arith.constant 1 : i32
      scf.for %scan3A_169 = %scan3A_52 to %scan3A_54 step %scan3A_55  : i32 {
        %get3A_170 = arith.index_cast %scan3A_169 : i32 to index
        %get3A_171 = arith.constant 0 : index
        %get3A_172 = tpu.vector_load %arg7[%get3A_170, %get3A_171] {strides = array<i32>} : memref<16x1024xf32, #tpu.memory_space<vmem>>, vector<16xf32>,
        %get3A_173 = arith.index_cast %scan3A_169 : i32 to index
        %get3A_174 = arith.constant 0 : index
        %get3A_175 = tpu.vector_load %arg8[%get3A_173, %get3A_174] {strides = array<i32>} : memref<16x1024xf32, #tpu.memory_space<vmem>>, vector<16xf32>,
        %sub3A = arith.subf %get3A_172, %get3A_175 : vector<16xf32>
        %mul3A_176 = arith.mulf %sub3A, %sub3A : vector<16xf32>
        %add3A_177 = arith.addf %broadcast_in_dim3A_5, %mul3A_176 : vector<16xf32>
        %get3A_178 = arith.index_cast %scan3A_169 : i32 to index
        %get3A_179 = arith.constant 16 : index
        %get3A_180 = tpu.vector_load %arg7[%get3A_178, %get3A_179] {strides = array<i32>} : memref<16x1024xf32, #tpu.memory_space<vmem>>, vector<16xf32>,
        %get3A_181 = arith.index_cast %scan3A_169 : i32 to index
        %get3A_182 = arith.constant 16 : index
        %get3A_183 = tpu.vector_load %arg8[%get3A_181, %get3A_182] {strides = array<i32>} : memref<16x1024xf32, #tpu.memory_space<vmem>>, vector<16xf32>,
        %sub3A_184 = arith.subf %get3A_180, %get3A_183 : vector<16xf32>
        %mul3A_185 = arith.mulf %sub3A_184, %sub3A_184 : vector<16xf32>
        %add3A_186 = arith.addf %broadcast_in_dim3A_5, %mul3A_185 : vector<16xf32>
        %get3A_187 = arith.index_cast %scan3A_169 : i32 to index
        %get3A_188 = arith.constant 32 : index
        %get3A_189 = tpu.vector_load %arg7[%get3A_187, %get3A_188] {strides = array<i32>} : memref<16x1024xf32, #tpu.memory_space<vmem>>, vector<16xf32>,
        %get3A_190 = arith.index_cast %scan3A_169 : i32 to index
        %get3A_191 = arith.constant 32 : index
        %get3A_192 = tpu.vector_load %arg8[%get3A_190, %get3A_191] {strides = array<i32>} : memref<16x1024xf32, #tpu.memory_space<vmem>>, vector<16xf32>,
        %sub3A_193 = arith.subf %get3A_189, %get3A_192 : vector<16xf32>
        %mul3A_194 = arith.mulf %sub3A_193, %sub3A_193 : vector<16xf32>
        %add3A_195 = arith.addf %broadcast_in_dim3A_5, %mul3A_194 : vector<16xf32>
        %get3A_196 = arith.index_cast %scan3A_169 : i32 to index
        %get3A_197 = arith.constant 48 : index
        %get3A_198 = tpu.vector_load %arg7[%get3A_196, %get3A_197] {strides = array<i32>} : memref<16x1024xf32, #tpu.memory_space<vmem>>, vector<16xf32>,
        %get3A_199 = arith.index_cast %scan3A_169 : i32 to index
        %get3A_200 = arith.constant 48 : index
        %get3A_201 = tpu.vector_load %arg8[%get3A_199, %get3A_200] {strides = array<i32>} : memref<16x1024xf32, #tpu.memory_space<vmem>>, vector<16xf32>,
        %sub3A_202 = arith.subf %get3A_198, %get3A_201 : vector<16xf32>
        %mul3A_203 = arith.mulf %sub3A_202, %sub3A_202 : vector<16xf32>
        %add3A_204 = arith.addf %broadcast_in_dim3A_5, %mul3A_203 : vector<16xf32>
        %get3A_205 = arith.index_cast %scan3A_169 : i32 to index
        %get3A_206 = arith.constant 64 : index
        %get3A_207 = tpu.vector_load %arg7[%get3A_205, %get3A_206] {strides = array<i32>} : memref<16x1024xf32, #tpu.memory_space<vmem>>, vector<16xf32>,
        %get3A_208 = arith.index_cast %scan3A_169 : i32 to index
        %get3A_209 = arith.constant 64 : index
        %get3A_210 = tpu.vector_load %arg8[%get3A_208, %get3A_209] {strides = array<i32>} : memref<16x1024xf32, #tpu.memory_space<vmem>>, vector<16xf32>,
        %sub3A_211 = arith.subf %get3A_207, %get3A_210 : vector<16xf32>
        %mul3A_212 = arith.mulf %sub3A_211, %sub3A_211 : vector<16xf32>
        %add3A_213 = arith.addf %broadcast_in_dim3A_5, %mul3A_212 : vector<16xf32>
        %get3A_214 = arith.index_cast %scan3A_169 : i32 to index
        %get3A_215 = arith.constant 80 : index
        %get3A_216 = tpu.vector_load %arg7[%get3A_214, %get3A_215] {strides = array<i32>} : memref<16x1024xf32, #tpu.memory_space<vmem>>, vector<16xf32>,
        %get3A_217 = arith.index_cast %scan3A_169 : i32 to index
        %get3A_218 = arith.constant 80 : index
        %get3A_219 = tpu.vector_load %arg8[%get3A_217, %get3A_218] {strides = array<i32>} : memref<16x1024xf32, #tpu.memory_space<vmem>>, vector<16xf32>,
        %sub3A_220 = arith.subf %get3A_216, %get3A_219 : vector<16xf32>
        %mul3A_221 = arith.mulf %sub3A_220, %sub3A_220 : vector<16xf32>
        %add3A_222 = arith.addf %broadcast_in_dim3A_5, %mul3A_221 : vector<16xf32>
        %get3A_223 = arith.index_cast %scan3A_169 : i32 to index
        %get3A_224 = arith.constant 96 : index
        %get3A_225 = tpu.vector_load %arg7[%get3A_223, %get3A_224] {strides = array<i32>} : memref<16x1024xf32, #tpu.memory_space<vmem>>, vector<16xf32>,
        %get3A_226 = arith.index_cast %scan3A_169 : i32 to index
        %get3A_227 = arith.constant 96 : index
        %get3A_228 = tpu.vector_load %arg8[%get3A_226, %get3A_227] {strides = array<i32>} : memref<16x1024xf32, #tpu.memory_space<vmem>>, vector<16xf32>,
        %sub3A_229 = arith.subf %get3A_225, %get3A_228 : vector<16xf32>
        %mul3A_230 = arith.mulf %sub3A_229, %sub3A_229 : vector<16xf32>
        %add3A_231 = arith.addf %broadcast_in_dim3A_5, %mul3A_230 : vector<16xf32>
        %get3A_232 = arith.index_cast %scan3A_169 : i32 to index
        %get3A_233 = arith.constant 112 : index
        %get3A_234 = tpu.vector_load %arg7[%get3A_232, %get3A_233] {strides = array<i32>} : memref<16x1024xf32, #tpu.memory_space<vmem>>, vector<16xf32>,
        %get3A_235 = arith.index_cast %scan3A_169 : i32 to index
        %get3A_236 = arith.constant 112 : index
        %get3A_237 = tpu.vector_load %arg8[%get3A_235, %get3A_236] {strides = array<i32>} : memref<16x1024xf32, #tpu.memory_space<vmem>>, vector<16xf32>,
        %sub3A_238 = arith.subf %get3A_234, %get3A_237 : vector<16xf32>
        %mul3A_239 = arith.mulf %sub3A_238, %sub3A_238 : vector<16xf32>
        %add3A_240 = arith.addf %broadcast_in_dim3A_5, %mul3A_239 : vector<16xf32>
        %get3A_241 = arith.index_cast %scan3A_169 : i32 to index
        %get3A_242 = arith.constant 128 : index
        %get3A_243 = tpu.vector_load %arg7[%get3A_241, %get3A_242] {strides = array<i32>} : memref<16x1024xf32, #tpu.memory_space<vmem>>, vector<16xf32>,
        %get3A_244 = arith.index_cast %scan3A_169 : i32 to index
        %get3A_245 = arith.constant 128 : index
        %get3A_246 = tpu.vector_load %arg8[%get3A_244, %get3A_245] {strides = array<i32>} : memref<16x1024xf32, #tpu.memory_space<vmem>>, vector<16xf32>,
        %sub3A_247 = arith.subf %get3A_243, %get3A_246 : vector<16xf32>
        %mul3A_248 = arith.mulf %sub3A_247, %sub3A_247 : vector<16xf32>
        %add3A_249 = arith.addf %add3A_177, %mul3A_248 : vector<16xf32>
        %get3A_250 = arith.index_cast %scan3A_169 : i32 to index
        %get3A_251 = arith.constant 144 : index
        %get3A_252 = tpu.vector_load %arg7[%get3A_250, %get3A_251] {strides = array<i32>} : memref<16x1024xf32, #tpu.memory_space<vmem>>, vector<16xf32>,
        %get3A_253 = arith.index_cast %scan3A_169 : i32 to index
        %get3A_254 = arith.constant 144 : index
        %get3A_255 = tpu.vector_load %arg8[%get3A_253, %get3A_254] {strides = array<i32>} : memref<16x1024xf32, #tpu.memory_space<vmem>>, vector<16xf32>,
        %sub3A_256 = arith.subf %get3A_252, %get3A_255 : vector<16xf32>
        %mul3A_257 = arith.mulf %sub3A_256, %sub3A_256 : vector<16xf32>
        %add3A_258 = arith.addf %add3A_186, %mul3A_257 : vector<16xf32>
        %get3A_259 = arith.index_cast %scan3A_169 : i32 to index
        %get3A_260 = arith.constant 160 : index
        %get3A_261 = tpu.vector_load %arg7[%get3A_259, %get3A_260] {strides = array<i32>} : memref<16x1024xf32, #tpu.memory_space<vmem>>, vector<16xf32>,
        %get3A_262 = arith.index_cast %scan3A_169 : i32 to index
        %get3A_263 = arith.constant 160 : index
        %get3A_264 = tpu.vector_load %arg8[%get3A_262, %get3A_263] {strides = array<i32>} : memref<16x1024xf32, #tpu.memory_space<vmem>>, vector<16xf32>,
        %sub3A_265 = arith.subf %get3A_261, %get3A_264 : vector<16xf32>
        %mul3A_266 = arith.mulf %sub3A_265, %sub3A_265 : vector<16xf32>
        %add3A_267 = arith.addf %add3A_195, %mul3A_266 : vector<16xf32>
        %get3A_268 = arith.index_cast %scan3A_169 : i32 to index
        %get3A_269 = arith.constant 176 : index
        %get3A_270 = tpu.vector_load %arg7[%get3A_268, %get3A_269] {strides = array<i32>} : memref<16x1024xf32, #tpu.memory_space<vmem>>, vector<16xf32>,
        %get3A_271 = arith.index_cast %scan3A_169 : i32 to index
        %get3A_272 = arith.constant 176 : index
        %get3A_273 = tpu.vector_load %arg8[%get3A_271, %get3A_272] {strides = array<i32>} : memref<16x1024xf32, #tpu.memory_space<vmem>>, vector<16xf32>,
        %sub3A_274 = arith.subf %get3A_270, %get3A_273 : vector<16xf32>
        %mul3A_275 = arith.mulf %sub3A_274, %sub3A_274 : vector<16xf32>
        %add3A_276 = arith.addf %add3A_204, %mul3A_275 : vector<16xf32>
        %get3A_277 = arith.index_cast %scan3A_169 : i32 to index
        %get3A_278 = arith.constant 192 : index
        %get3A_279 = tpu.vector_load %arg7[%get3A_277, %get3A_278] {strides = array<i32>} : memref<16x1024xf32, #tpu.memory_space<vmem>>, vector<16xf32>,
        %get3A_280 = arith.index_cast %scan3A_169 : i32 to index
        %get3A_281 = arith.constant 192 : index
        %get3A_282 = tpu.vector_load %arg8[%get3A_280, %get3A_281] {strides = array<i32>} : memref<16x1024xf32, #tpu.memory_space<vmem>>, vector<16xf32>,
        %sub3A_283 = arith.subf %get3A_279, %get3A_282 : vector<16xf32>
        %mul3A_284 = arith.mulf %sub3A_283, %sub3A_283 : vector<16xf32>
        %add3A_285 = arith.addf %add3A_213, %mul3A_284 : vector<16xf32>
        %get3A_286 = arith.index_cast %scan3A_169 : i32 to index
        %get3A_287 = arith.constant 208 : index
        %get3A_288 = tpu.vector_load %arg7[%get3A_286, %get3A_287] {strides = array<i32>} : memref<16x1024xf32, #tpu.memory_space<vmem>>, vector<16xf32>,
        %get3A_289 = arith.index_cast %scan3A_169 : i32 to index
        %get3A_290 = arith.constant 208 : index
        %get3A_291 = tpu.vector_load %arg8[%get3A_289, %get3A_290] {strides = array<i32>} : memref<16x1024xf32, #tpu.memory_space<vmem>>, vector<16xf32>,
        %sub3A_292 = arith.subf %get3A_288, %get3A_291 : vector<16xf32>
        %mul3A_293 = arith.mulf %sub3A_292, %sub3A_292 : vector<16xf32>
        %add3A_294 = arith.addf %add3A_222, %mul3A_293 : vector<16xf32>
        %get3A_295 = arith.index_cast %scan3A_169 : i32 to index
        %get3A_296 = arith.constant 224 : index
        %get3A_297 = tpu.vector_load %arg7[%get3A_295, %get3A_296] {strides = array<i32>} : memref<16x1024xf32, #tpu.memory_space<vmem>>, vector<16xf32>,
        %get3A_298 = arith.index_cast %scan3A_169 : i32 to index
        %get3A_299 = arith.constant 224 : index
        %get3A_300 = tpu.vector_load %arg8[%get3A_298, %get3A_299] {strides = array<i32>} : memref<16x1024xf32, #tpu.memory_space<vmem>>, vector<16xf32>,
        %sub3A_301 = arith.subf %get3A_297, %get3A_300 : vector<16xf32>
        %mul3A_302 = arith.mulf %sub3A_301, %sub3A_301 : vector<16xf32>
        %add3A_303 = arith.addf %add3A_231, %mul3A_302 : vector<16xf32>
        %get3A_304 = arith.index_cast %scan3A_169 : i32 to index
        %get3A_305 = arith.constant 240 : index
        %get3A_306 = tpu.vector_load %arg7[%get3A_304, %get3A_305] {strides = array<i32>} : memref<16x1024xf32, #tpu.memory_space<vmem>>, vector<16xf32>,
        %get3A_307 = arith.index_cast %scan3A_169 : i32 to index
        %get3A_308 = arith.constant 240 : index
        %get3A_309 = tpu.vector_load %arg8[%get3A_307, %get3A_308] {strides = array<i32>} : memref<16x1024xf32, #tpu.memory_space<vmem>>, vector<16xf32>,
        %sub3A_310 = arith.subf %get3A_306, %get3A_309 : vector<16xf32>
        %mul3A_311 = arith.mulf %sub3A_310, %sub3A_310 : vector<16xf32>
        %add3A_312 = arith.addf %add3A_240, %mul3A_311 : vector<16xf32>
        %get3A_313 = arith.index_cast %scan3A_169 : i32 to index
        %get3A_314 = arith.constant 256 : index
        %get3A_315 = tpu.vector_load %arg7[%get3A_313, %get3A_314] {strides = array<i32>} : memref<16x1024xf32, #tpu.memory_space<vmem>>, vector<16xf32>,
        %get3A_316 = arith.index_cast %scan3A_169 : i32 to index
        %get3A_317 = arith.constant 256 : index
        %get3A_318 = tpu.vector_load %arg8[%get3A_316, %get3A_317] {strides = array<i32>} : memref<16x1024xf32, #tpu.memory_space<vmem>>, vector<16xf32>,
        %sub3A_319 = arith.subf %get3A_315, %get3A_318 : vector<16xf32>
        %mul3A_320 = arith.mulf %sub3A_319, %sub3A_319 : vector<16xf32>
        %add3A_321 = arith.addf %add3A_249, %mul3A_320 : vector<16xf32>
        %get3A_322 = arith.index_cast %scan3A_169 : i32 to index
        %get3A_323 = arith.constant 272 : index
        %get3A_324 = tpu.vector_load %arg7[%get3A_322, %get3A_323] {strides = array<i32>} : memref<16x1024xf32, #tpu.memory_space<vmem>>, vector<16xf32>,
        %get3A_325 = arith.index_cast %scan3A_169 : i32 to index
        %get3A_326 = arith.constant 272 : index
        %get3A_327 = tpu.vector_load %arg8[%get3A_325, %get3A_326] {strides = array<i32>} : memref<16x1024xf32, #tpu.memory_space<vmem>>, vector<16xf32>,
        %sub3A_328 = arith.subf %get3A_324, %get3A_327 : vector<16xf32>
        %mul3A_329 = arith.mulf %sub3A_328, %sub3A_328 : vector<16xf32>
        %add3A_330 = arith.addf %add3A_258, %mul3A_329 : vector<16xf32>
        %get3A_331 = arith.index_cast %scan3A_169 : i32 to index
        %get3A_332 = arith.constant 288 : index
        %get3A_333 = tpu.vector_load %arg7[%get3A_331, %get3A_332] {strides = array<i32>} : memref<16x1024xf32, #tpu.memory_space<vmem>>, vector<16xf32>,
        %get3A_334 = arith.index_cast %scan3A_169 : i32 to index
        %get3A_335 = arith.constant 288 : index
        %get3A_336 = tpu.vector_load %arg8[%get3A_334, %get3A_335] {strides = array<i32>} : memref<16x1024xf32, #tpu.memory_space<vmem>>, vector<16xf32>,
        %sub3A_337 = arith.subf %get3A_333, %get3A_336 : vector<16xf32>
        %mul3A_338 = arith.mulf %sub3A_337, %sub3A_337 : vector<16xf32>
        %add3A_339 = arith.addf %add3A_267, %mul3A_338 : vector<16xf32>
        %get3A_340 = arith.index_cast %scan3A_169 : i32 to index
        %get3A_341 = arith.constant 304 : index
        %get3A_342 = tpu.vector_load %arg7[%get3A_340, %get3A_341] {strides = array<i32>} : memref<16x1024xf32, #tpu.memory_space<vmem>>, vector<16xf32>,
        %get3A_343 = arith.index_cast %scan3A_169 : i32 to index
        %get3A_344 = arith.constant 304 : index
        %get3A_345 = tpu.vector_load %arg8[%get3A_343, %get3A_344] {strides = array<i32>} : memref<16x1024xf32, #tpu.memory_space<vmem>>, vector<16xf32>,
        %sub3A_346 = arith.subf %get3A_342, %get3A_345 : vector<16xf32>
        %mul3A_347 = arith.mulf %sub3A_346, %sub3A_346 : vector<16xf32>
        %add3A_348 = arith.addf %add3A_276, %mul3A_347 : vector<16xf32>
        %get3A_349 = arith.index_cast %scan3A_169 : i32 to index
        %get3A_350 = arith.constant 320 : index
        %get3A_351 = tpu.vector_load %arg7[%get3A_349, %get3A_350] {strides = array<i32>} : memref<16x1024xf32, #tpu.memory_space<vmem>>, vector<16xf32>,
        %get3A_352 = arith.index_cast %scan3A_169 : i32 to index
        %get3A_353 = arith.constant 320 : index
        %get3A_354 = tpu.vector_load %arg8[%get3A_352, %get3A_353] {strides = array<i32>} : memref<16x1024xf32, #tpu.memory_space<vmem>>, vector<16xf32>,
        %sub3A_355 = arith.subf %get3A_351, %get3A_354 : vector<16xf32>
        %mul3A_356 = arith.mulf %sub3A_355, %sub3A_355 : vector<16xf32>
        %add3A_357 = arith.addf %add3A_285, %mul3A_356 : vector<16xf32>
        %get3A_358 = arith.index_cast %scan3A_169 : i32 to index
        %get3A_359 = arith.constant 336 : index
        %get3A_360 = tpu.vector_load %arg7[%get3A_358, %get3A_359] {strides = array<i32>} : memref<16x1024xf32, #tpu.memory_space<vmem>>, vector<16xf32>,
        %get3A_361 = arith.index_cast %scan3A_169 : i32 to index
        %get3A_362 = arith.constant 336 : index
        %get3A_363 = tpu.vector_load %arg8[%get3A_361, %get3A_362] {strides = array<i32>} : memref<16x1024xf32, #tpu.memory_space<vmem>>, vector<16xf32>,
        %sub3A_364 = arith.subf %get3A_360, %get3A_363 : vector<16xf32>
        %mul3A_365 = arith.mulf %sub3A_364, %sub3A_364 : vector<16xf32>
        %add3A_366 = arith.addf %add3A_294, %mul3A_365 : vector<16xf32>
        %get3A_367 = arith.index_cast %scan3A_169 : i32 to index
        %get3A_368 = arith.constant 352 : index
        %get3A_369 = tpu.vector_load %arg7[%get3A_367, %get3A_368] {strides = array<i32>} : memref<16x1024xf32, #tpu.memory_space<vmem>>, vector<16xf32>,
        %get3A_370 = arith.index_cast %scan3A_169 : i32 to index
        %get3A_371 = arith.constant 352 : index
        %get3A_372 = tpu.vector_load %arg8[%get3A_370, %get3A_371] {strides = array<i32>} : memref<16x1024xf32, #tpu.memory_space<vmem>>, vector<16xf32>,
        %sub3A_373 = arith.subf %get3A_369, %get3A_372 : vector<16xf32>
        %mul3A_374 = arith.mulf %sub3A_373, %sub3A_373 : vector<16xf32>
        %add3A_375 = arith.addf %add3A_303, %mul3A_374 : vector<16xf32>
        %get3A_376 = arith.index_cast %scan3A_169 : i32 to index
        %get3A_377 = arith.constant 368 : index
        %get3A_378 = tpu.vector_load %arg7[%get3A_376, %get3A_377] {strides = array<i32>} : memref<16x1024xf32, #tpu.memory_space<vmem>>, vector<16xf32>,
        %get3A_379 = arith.index_cast %scan3A_169 : i32 to index
        %get3A_380 = arith.constant 368 : index
        %get3A_381 = tpu.vector_load %arg8[%get3A_379, %get3A_380] {strides = array<i32>} : memref<16x1024xf32, #tpu.memory_space<vmem>>, vector<16xf32>,
        %sub3A_382 = arith.subf %get3A_378, %get3A_381 : vector<16xf32>
        %mul3A_383 = arith.mulf %sub3A_382, %sub3A_382 : vector<16xf32>
        %add3A_384 = arith.addf %add3A_312, %mul3A_383 : vector<16xf32>
        %get3A_385 = arith.index_cast %scan3A_169 : i32 to index
        %get3A_386 = arith.constant 384 : index
        %get3A_387 = tpu.vector_load %arg7[%get3A_385, %get3A_386] {strides = array<i32>} : memref<16x1024xf32, #tpu.memory_space<vmem>>, vector<16xf32>,
        %get3A_388 = arith.index_cast %scan3A_169 : i32 to index
        %get3A_389 = arith.constant 384 : index
        %get3A_390 = tpu.vector_load %arg8[%get3A_388, %get3A_389] {strides = array<i32>} : memref<16x1024xf32, #tpu.memory_space<vmem>>, vector<16xf32>,
        %sub3A_391 = arith.subf %get3A_387, %get3A_390 : vector<16xf32>
        %mul3A_392 = arith.mulf %sub3A_391, %sub3A_391 : vector<16xf32>
        %add3A_393 = arith.addf %add3A_321, %mul3A_392 : vector<16xf32>
        %get3A_394 = arith.index_cast %scan3A_169 : i32 to index
        %get3A_395 = arith.constant 400 : index
        %get3A_396 = tpu.vector_load %arg7[%get3A_394, %get3A_395] {strides = array<i32>} : memref<16x1024xf32, #tpu.memory_space<vmem>>, vector<16xf32>,
        %get3A_397 = arith.index_cast %scan3A_169 : i32 to index
        %get3A_398 = arith.constant 400 : index
        %get3A_399 = tpu.vector_load %arg8[%get3A_397, %get3A_398] {strides = array<i32>} : memref<16x1024xf32, #tpu.memory_space<vmem>>, vector<16xf32>,
        %sub3A_400 = arith.subf %get3A_396, %get3A_399 : vector<16xf32>
        %mul3A_401 = arith.mulf %sub3A_400, %sub3A_400 : vector<16xf32>
        %add3A_402 = arith.addf %add3A_330, %mul3A_401 : vector<16xf32>
        %get3A_403 = arith.index_cast %scan3A_169 : i32 to index
        %get3A_404 = arith.constant 416 : index
        %get3A_405 = tpu.vector_load %arg7[%get3A_403, %get3A_404] {strides = array<i32>} : memref<16x1024xf32, #tpu.memory_space<vmem>>, vector<16xf32>,
        %get3A_406 = arith.index_cast %scan3A_169 : i32 to index
        %get3A_407 = arith.constant 416 : index
        %get3A_408 = tpu.vector_load %arg8[%get3A_406, %get3A_407] {strides = array<i32>} : memref<16x1024xf32, #tpu.memory_space<vmem>>, vector<16xf32>,
        %sub3A_409 = arith.subf %get3A_405, %get3A_408 : vector<16xf32>
        %mul3A_410 = arith.mulf %sub3A_409, %sub3A_409 : vector<16xf32>
        %add3A_411 = arith.addf %add3A_339, %mul3A_410 : vector<16xf32>
        %get3A_412 = arith.index_cast %scan3A_169 : i32 to index
        %get3A_413 = arith.constant 432 : index
        %get3A_414 = tpu.vector_load %arg7[%get3A_412, %get3A_413] {strides = array<i32>} : memref<16x1024xf32, #tpu.memory_space<vmem>>, vector<16xf32>,
        %get3A_415 = arith.index_cast %scan3A_169 : i32 to index
        %get3A_416 = arith.constant 432 : index
        %get3A_417 = tpu.vector_load %arg8[%get3A_415, %get3A_416] {strides = array<i32>} : memref<16x1024xf32, #tpu.memory_space<vmem>>, vector<16xf32>,
        %sub3A_418 = arith.subf %get3A_414, %get3A_417 : vector<16xf32>
        %mul3A_419 = arith.mulf %sub3A_418, %sub3A_418 : vector<16xf32>
        %add3A_420 = arith.addf %add3A_348, %mul3A_419 : vector<16xf32>
        %get3A_421 = arith.index_cast %scan3A_169 : i32 to index
        %get3A_422 = arith.constant 448 : index
        %get3A_423 = tpu.vector_load %arg7[%get3A_421, %get3A_422] {strides = array<i32>} : memref<16x1024xf32, #tpu.memory_space<vmem>>, vector<16xf32>,
        %get3A_424 = arith.index_cast %scan3A_169 : i32 to index
        %get3A_425 = arith.constant 448 : index
        %get3A_426 = tpu.vector_load %arg8[%get3A_424, %get3A_425] {strides = array<i32>} : memref<16x1024xf32, #tpu.memory_space<vmem>>, vector<16xf32>,
        %sub3A_427 = arith.subf %get3A_423, %get3A_426 : vector<16xf32>
        %mul3A_428 = arith.mulf %sub3A_427, %sub3A_427 : vector<16xf32>
        %add3A_429 = arith.addf %add3A_357, %mul3A_428 : vector<16xf32>
        %get3A_430 = arith.index_cast %scan3A_169 : i32 to index
        %get3A_431 = arith.constant 464 : index
        %get3A_432 = tpu.vector_load %arg7[%get3A_430, %get3A_431] {strides = array<i32>} : memref<16x1024xf32, #tpu.memory_space<vmem>>, vector<16xf32>,
        %get3A_433 = arith.index_cast %scan3A_169 : i32 to index
        %get3A_434 = arith.constant 464 : index
        %get3A_435 = tpu.vector_load %arg8[%get3A_433, %get3A_434] {strides = array<i32>} : memref<16x1024xf32, #tpu.memory_space<vmem>>, vector<16xf32>,
        %sub3A_436 = arith.subf %get3A_432, %get3A_435 : vector<16xf32>
        %mul3A_437 = arith.mulf %sub3A_436, %sub3A_436 : vector<16xf32>
        %add3A_438 = arith.addf %add3A_366, %mul3A_437 : vector<16xf32>
        %get3A_439 = arith.index_cast %scan3A_169 : i32 to index
        %get3A_440 = arith.constant 480 : index
        %get3A_441 = tpu.vector_load %arg7[%get3A_439, %get3A_440] {strides = array<i32>} : memref<16x1024xf32, #tpu.memory_space<vmem>>, vector<16xf32>,
        %get3A_442 = arith.index_cast %scan3A_169 : i32 to index
        %get3A_443 = arith.constant 480 : index
        %get3A_444 = tpu.vector_load %arg8[%get3A_442, %get3A_443] {strides = array<i32>} : memref<16x1024xf32, #tpu.memory_space<vmem>>, vector<16xf32>,
        %sub3A_445 = arith.subf %get3A_441, %get3A_444 : vector<16xf32>
        %mul3A_446 = arith.mulf %sub3A_445, %sub3A_445 : vector<16xf32>
        %add3A_447 = arith.addf %add3A_375, %mul3A_446 : vector<16xf32>
        %get3A_448 = arith.index_cast %scan3A_169 : i32 to index
        %get3A_449 = arith.constant 496 : index
        %get3A_450 = tpu.vector_load %arg7[%get3A_448, %get3A_449] {strides = array<i32>} : memref<16x1024xf32, #tpu.memory_space<vmem>>, vector<16xf32>,
        %get3A_451 = arith.index_cast %scan3A_169 : i32 to index
        %get3A_452 = arith.constant 496 : index
        %get3A_453 = tpu.vector_load %arg8[%get3A_451, %get3A_452] {strides = array<i32>} : memref<16x1024xf32, #tpu.memory_space<vmem>>, vector<16xf32>,
        %sub3A_454 = arith.subf %get3A_450, %get3A_453 : vector<16xf32>
        %mul3A_455 = arith.mulf %sub3A_454, %sub3A_454 : vector<16xf32>
        %add3A_456 = arith.addf %add3A_384, %mul3A_455 : vector<16xf32>
        %get3A_457 = arith.index_cast %scan3A_169 : i32 to index
        %get3A_458 = arith.constant 512 : index
        %get3A_459 = tpu.vector_load %arg7[%get3A_457, %get3A_458] {strides = array<i32>} : memref<16x1024xf32, #tpu.memory_space<vmem>>, vector<16xf32>,
        %get3A_460 = arith.index_cast %scan3A_169 : i32 to index
        %get3A_461 = arith.constant 512 : index
        %get3A_462 = tpu.vector_load %arg8[%get3A_460, %get3A_461] {strides = array<i32>} : memref<16x1024xf32, #tpu.memory_space<vmem>>, vector<16xf32>,
        %sub3A_463 = arith.subf %get3A_459, %get3A_462 : vector<16xf32>
        %mul3A_464 = arith.mulf %sub3A_463, %sub3A_463 : vector<16xf32>
        %add3A_465 = arith.addf %add3A_393, %mul3A_464 : vector<16xf32>
        %get3A_466 = arith.index_cast %scan3A_169 : i32 to index
        %get3A_467 = arith.constant 528 : index
        %get3A_468 = tpu.vector_load %arg7[%get3A_466, %get3A_467] {strides = array<i32>} : memref<16x1024xf32, #tpu.memory_space<vmem>>, vector<16xf32>,
        %get3A_469 = arith.index_cast %scan3A_169 : i32 to index
        %get3A_470 = arith.constant 528 : index
        %get3A_471 = tpu.vector_load %arg8[%get3A_469, %get3A_470] {strides = array<i32>} : memref<16x1024xf32, #tpu.memory_space<vmem>>, vector<16xf32>,
        %sub3A_472 = arith.subf %get3A_468, %get3A_471 : vector<16xf32>
        %mul3A_473 = arith.mulf %sub3A_472, %sub3A_472 : vector<16xf32>
        %add3A_474 = arith.addf %add3A_402, %mul3A_473 : vector<16xf32>
        %get3A_475 = arith.index_cast %scan3A_169 : i32 to index
        %get3A_476 = arith.constant 544 : index
        %get3A_477 = tpu.vector_load %arg7[%get3A_475, %get3A_476] {strides = array<i32>} : memref<16x1024xf32, #tpu.memory_space<vmem>>, vector<16xf32>,
        %get3A_478 = arith.index_cast %scan3A_169 : i32 to index
        %get3A_479 = arith.constant 544 : index
        %get3A_480 = tpu.vector_load %arg8[%get3A_478, %get3A_479] {strides = array<i32>} : memref<16x1024xf32, #tpu.memory_space<vmem>>, vector<16xf32>,
        %sub3A_481 = arith.subf %get3A_477, %get3A_480 : vector<16xf32>
        %mul3A_482 = arith.mulf %sub3A_481, %sub3A_481 : vector<16xf32>
        %add3A_483 = arith.addf %add3A_411, %mul3A_482 : vector<16xf32>
        %get3A_484 = arith.index_cast %scan3A_169 : i32 to index
        %get3A_485 = arith.constant 560 : index
        %get3A_486 = tpu.vector_load %arg7[%get3A_484, %get3A_485] {strides = array<i32>} : memref<16x1024xf32, #tpu.memory_space<vmem>>, vector<16xf32>,
        %get3A_487 = arith.index_cast %scan3A_169 : i32 to index
        %get3A_488 = arith.constant 560 : index
        %get3A_489 = tpu.vector_load %arg8[%get3A_487, %get3A_488] {strides = array<i32>} : memref<16x1024xf32, #tpu.memory_space<vmem>>, vector<16xf32>,
        %sub3A_490 = arith.subf %get3A_486, %get3A_489 : vector<16xf32>
        %mul3A_491 = arith.mulf %sub3A_490, %sub3A_490 : vector<16xf32>
        %add3A_492 = arith.addf %add3A_420, %mul3A_491 : vector<16xf32>
        %get3A_493 = arith.index_cast %scan3A_169 : i32 to index
        %get3A_494 = arith.constant 576 : index
        %get3A_495 = tpu.vector_load %arg7[%get3A_493, %get3A_494] {strides = array<i32>} : memref<16x1024xf32, #tpu.memory_space<vmem>>, vector<16xf32>,
        %get3A_496 = arith.index_cast %scan3A_169 : i32 to index
        %get3A_497 = arith.constant 576 : index
        %get3A_498 = tpu.vector_load %arg8[%get3A_496, %get3A_497] {strides = array<i32>} : memref<16x1024xf32, #tpu.memory_space<vmem>>, vector<16xf32>,
        %sub3A_499 = arith.subf %get3A_495, %get3A_498 : vector<16xf32>
        %mul3A_500 = arith.mulf %sub3A_499, %sub3A_499 : vector<16xf32>
        %add3A_501 = arith.addf %add3A_429, %mul3A_500 : vector<16xf32>
        %get3A_502 = arith.index_cast %scan3A_169 : i32 to index
        %get3A_503 = arith.constant 592 : index
        %get3A_504 = tpu.vector_load %arg7[%get3A_502, %get3A_503] {strides = array<i32>} : memref<16x1024xf32, #tpu.memory_space<vmem>>, vector<16xf32>,
        %get3A_505 = arith.index_cast %scan3A_169 : i32 to index
        %get3A_506 = arith.constant 592 : index
        %get3A_507 = tpu.vector_load %arg8[%get3A_505, %get3A_506] {strides = array<i32>} : memref<16x1024xf32, #tpu.memory_space<vmem>>, vector<16xf32>,
        %sub3A_508 = arith.subf %get3A_504, %get3A_507 : vector<16xf32>
        %mul3A_509 = arith.mulf %sub3A_508, %sub3A_508 : vector<16xf32>
        %add3A_510 = arith.addf %add3A_438, %mul3A_509 : vector<16xf32>
        %get3A_511 = arith.index_cast %scan3A_169 : i32 to index
        %get3A_512 = arith.constant 608 : index
        %get3A_513 = tpu.vector_load %arg7[%get3A_511, %get3A_512] {strides = array<i32>} : memref<16x1024xf32, #tpu.memory_space<vmem>>, vector<16xf32>,
        %get3A_514 = arith.index_cast %scan3A_169 : i32 to index
        %get3A_515 = arith.constant 608 : index
        %get3A_516 = tpu.vector_load %arg8[%get3A_514, %get3A_515] {strides = array<i32>} : memref<16x1024xf32, #tpu.memory_space<vmem>>, vector<16xf32>,
        %sub3A_517 = arith.subf %get3A_513, %get3A_516 : vector<16xf32>
        %mul3A_518 = arith.mulf %sub3A_517, %sub3A_517 : vector<16xf32>
        %add3A_519 = arith.addf %add3A_447, %mul3A_518 : vector<16xf32>
        %get3A_520 = arith.index_cast %scan3A_169 : i32 to index
        %get3A_521 = arith.constant 624 : index
        %get3A_522 = tpu.vector_load %arg7[%get3A_520, %get3A_521] {strides = array<i32>} : memref<16x1024xf32, #tpu.memory_space<vmem>>, vector<16xf32>,
        %get3A_523 = arith.index_cast %scan3A_169 : i32 to index
        %get3A_524 = arith.constant 624 : index
        %get3A_525 = tpu.vector_load %arg8[%get3A_523, %get3A_524] {strides = array<i32>} : memref<16x1024xf32, #tpu.memory_space<vmem>>, vector<16xf32>,
        %sub3A_526 = arith.subf %get3A_522, %get3A_525 : vector<16xf32>
        %mul3A_527 = arith.mulf %sub3A_526, %sub3A_526 : vector<16xf32>
        %add3A_528 = arith.addf %add3A_456, %mul3A_527 : vector<16xf32>
        %get3A_529 = arith.index_cast %scan3A_169 : i32 to index
        %get3A_530 = arith.constant 640 : index
        %get3A_531 = tpu.vector_load %arg7[%get3A_529, %get3A_530] {strides = array<i32>} : memref<16x1024xf32, #tpu.memory_space<vmem>>, vector<16xf32>,
        %get3A_532 = arith.index_cast %scan3A_169 : i32 to index
        %get3A_533 = arith.constant 640 : index
        %get3A_534 = tpu.vector_load %arg8[%get3A_532, %get3A_533] {strides = array<i32>} : memref<16x1024xf32, #tpu.memory_space<vmem>>, vector<16xf32>,
        %sub3A_535 = arith.subf %get3A_531, %get3A_534 : vector<16xf32>
        %mul3A_536 = arith.mulf %sub3A_535, %sub3A_535 : vector<16xf32>
        %add3A_537 = arith.addf %add3A_465, %mul3A_536 : vector<16xf32>
        %get3A_538 = arith.index_cast %scan3A_169 : i32 to index
        %get3A_539 = arith.constant 656 : index
        %get3A_540 = tpu.vector_load %arg7[%get3A_538, %get3A_539] {strides = array<i32>} : memref<16x1024xf32, #tpu.memory_space<vmem>>, vector<16xf32>,
        %get3A_541 = arith.index_cast %scan3A_169 : i32 to index
        %get3A_542 = arith.constant 656 : index
        %get3A_543 = tpu.vector_load %arg8[%get3A_541, %get3A_542] {strides = array<i32>} : memref<16x1024xf32, #tpu.memory_space<vmem>>, vector<16xf32>,
        %sub3A_544 = arith.subf %get3A_540, %get3A_543 : vector<16xf32>
        %mul3A_545 = arith.mulf %sub3A_544, %sub3A_544 : vector<16xf32>
        %add3A_546 = arith.addf %add3A_474, %mul3A_545 : vector<16xf32>
        %get3A_547 = arith.index_cast %scan3A_169 : i32 to index
        %get3A_548 = arith.constant 672 : index
        %get3A_549 = tpu.vector_load %arg7[%get3A_547, %get3A_548] {strides = array<i32>} : memref<16x1024xf32, #tpu.memory_space<vmem>>, vector<16xf32>,
        %get3A_550 = arith.index_cast %scan3A_169 : i32 to index
        %get3A_551 = arith.constant 672 : index
        %get3A_552 = tpu.vector_load %arg8[%get3A_550, %get3A_551] {strides = array<i32>} : memref<16x1024xf32, #tpu.memory_space<vmem>>, vector<16xf32>,
        %sub3A_553 = arith.subf %get3A_549, %get3A_552 : vector<16xf32>
        %mul3A_554 = arith.mulf %sub3A_553, %sub3A_553 : vector<16xf32>
        %add3A_555 = arith.addf %add3A_483, %mul3A_554 : vector<16xf32>
        %get3A_556 = arith.index_cast %scan3A_169 : i32 to index
        %get3A_557 = arith.constant 688 : index
        %get3A_558 = tpu.vector_load %arg7[%get3A_556, %get3A_557] {strides = array<i32>} : memref<16x1024xf32, #tpu.memory_space<vmem>>, vector<16xf32>,
        %get3A_559 = arith.index_cast %scan3A_169 : i32 to index
        %get3A_560 = arith.constant 688 : index
        %get3A_561 = tpu.vector_load %arg8[%get3A_559, %get3A_560] {strides = array<i32>} : memref<16x1024xf32, #tpu.memory_space<vmem>>, vector<16xf32>,
        %sub3A_562 = arith.subf %get3A_558, %get3A_561 : vector<16xf32>
        %mul3A_563 = arith.mulf %sub3A_562, %sub3A_562 : vector<16xf32>
        %add3A_564 = arith.addf %add3A_492, %mul3A_563 : vector<16xf32>
        %get3A_565 = arith.index_cast %scan3A_169 : i32 to index
        %get3A_566 = arith.constant 704 : index
        %get3A_567 = tpu.vector_load %arg7[%get3A_565, %get3A_566] {strides = array<i32>} : memref<16x1024xf32, #tpu.memory_space<vmem>>, vector<16xf32>,
        %get3A_568 = arith.index_cast %scan3A_169 : i32 to index
        %get3A_569 = arith.constant 704 : index
        %get3A_570 = tpu.vector_load %arg8[%get3A_568, %get3A_569] {strides = array<i32>} : memref<16x1024xf32, #tpu.memory_space<vmem>>, vector<16xf32>,
        %sub3A_571 = arith.subf %get3A_567, %get3A_570 : vector<16xf32>
        %mul3A_572 = arith.mulf %sub3A_571, %sub3A_571 : vector<16xf32>
        %add3A_573 = arith.addf %add3A_501, %mul3A_572 : vector<16xf32>
        %get3A_574 = arith.index_cast %scan3A_169 : i32 to index
        %get3A_575 = arith.constant 720 : index
        %get3A_576 = tpu.vector_load %arg7[%get3A_574, %get3A_575] {strides = array<i32>} : memref<16x1024xf32, #tpu.memory_space<vmem>>, vector<16xf32>,
        %get3A_577 = arith.index_cast %scan3A_169 : i32 to index
        %get3A_578 = arith.constant 720 : index
        %get3A_579 = tpu.vector_load %arg8[%get3A_577, %get3A_578] {strides = array<i32>} : memref<16x1024xf32, #tpu.memory_space<vmem>>, vector<16xf32>,
        %sub3A_580 = arith.subf %get3A_576, %get3A_579 : vector<16xf32>
        %mul3A_581 = arith.mulf %sub3A_580, %sub3A_580 : vector<16xf32>
        %add3A_582 = arith.addf %add3A_510, %mul3A_581 : vector<16xf32>
        %get3A_583 = arith.index_cast %scan3A_169 : i32 to index
        %get3A_584 = arith.constant 736 : index
        %get3A_585 = tpu.vector_load %arg7[%get3A_583, %get3A_584] {strides = array<i32>} : memref<16x1024xf32, #tpu.memory_space<vmem>>, vector<16xf32>,
        %get3A_586 = arith.index_cast %scan3A_169 : i32 to index
        %get3A_587 = arith.constant 736 : index
        %get3A_588 = tpu.vector_load %arg8[%get3A_586, %get3A_587] {strides = array<i32>} : memref<16x1024xf32, #tpu.memory_space<vmem>>, vector<16xf32>,
        %sub3A_589 = arith.subf %get3A_585, %get3A_588 : vector<16xf32>
        %mul3A_590 = arith.mulf %sub3A_589, %sub3A_589 : vector<16xf32>
        %add3A_591 = arith.addf %add3A_519, %mul3A_590 : vector<16xf32>
        %get3A_592 = arith.index_cast %scan3A_169 : i32 to index
        %get3A_593 = arith.constant 752 : index
        %get3A_594 = tpu.vector_load %arg7[%get3A_592, %get3A_593] {strides = array<i32>} : memref<16x1024xf32, #tpu.memory_space<vmem>>, vector<16xf32>,
        %get3A_595 = arith.index_cast %scan3A_169 : i32 to index
        %get3A_596 = arith.constant 752 : index
        %get3A_597 = tpu.vector_load %arg8[%get3A_595, %get3A_596] {strides = array<i32>} : memref<16x1024xf32, #tpu.memory_space<vmem>>, vector<16xf32>,
        %sub3A_598 = arith.subf %get3A_594, %get3A_597 : vector<16xf32>
        %mul3A_599 = arith.mulf %sub3A_598, %sub3A_598 : vector<16xf32>
        %add3A_600 = arith.addf %add3A_528, %mul3A_599 : vector<16xf32>
        %get3A_601 = arith.index_cast %scan3A_169 : i32 to index
        %get3A_602 = arith.constant 768 : index
        %get3A_603 = tpu.vector_load %arg7[%get3A_601, %get3A_602] {strides = array<i32>} : memref<16x1024xf32, #tpu.memory_space<vmem>>, vector<16xf32>,
        %get3A_604 = arith.index_cast %scan3A_169 : i32 to index
        %get3A_605 = arith.constant 768 : index
        %get3A_606 = tpu.vector_load %arg8[%get3A_604, %get3A_605] {strides = array<i32>} : memref<16x1024xf32, #tpu.memory_space<vmem>>, vector<16xf32>,
        %sub3A_607 = arith.subf %get3A_603, %get3A_606 : vector<16xf32>
        %mul3A_608 = arith.mulf %sub3A_607, %sub3A_607 : vector<16xf32>
        %add3A_609 = arith.addf %add3A_537, %mul3A_608 : vector<16xf32>
        %get3A_610 = arith.index_cast %scan3A_169 : i32 to index
        %get3A_611 = arith.constant 784 : index
        %get3A_612 = tpu.vector_load %arg7[%get3A_610, %get3A_611] {strides = array<i32>} : memref<16x1024xf32, #tpu.memory_space<vmem>>, vector<16xf32>,
        %get3A_613 = arith.index_cast %scan3A_169 : i32 to index
        %get3A_614 = arith.constant 784 : index
        %get3A_615 = tpu.vector_load %arg8[%get3A_613, %get3A_614] {strides = array<i32>} : memref<16x1024xf32, #tpu.memory_space<vmem>>, vector<16xf32>,
        %sub3A_616 = arith.subf %get3A_612, %get3A_615 : vector<16xf32>
        %mul3A_617 = arith.mulf %sub3A_616, %sub3A_616 : vector<16xf32>
        %add3A_618 = arith.addf %add3A_546, %mul3A_617 : vector<16xf32>
        %get3A_619 = arith.index_cast %scan3A_169 : i32 to index
        %get3A_620 = arith.constant 800 : index
        %get3A_621 = tpu.vector_load %arg7[%get3A_619, %get3A_620] {strides = array<i32>} : memref<16x1024xf32, #tpu.memory_space<vmem>>, vector<16xf32>,
        %get3A_622 = arith.index_cast %scan3A_169 : i32 to index
        %get3A_623 = arith.constant 800 : index
        %get3A_624 = tpu.vector_load %arg8[%get3A_622, %get3A_623] {strides = array<i32>} : memref<16x1024xf32, #tpu.memory_space<vmem>>, vector<16xf32>,
        %sub3A_625 = arith.subf %get3A_621, %get3A_624 : vector<16xf32>
        %mul3A_626 = arith.mulf %sub3A_625, %sub3A_625 : vector<16xf32>
        %add3A_627 = arith.addf %add3A_555, %mul3A_626 : vector<16xf32>
        %get3A_628 = arith.index_cast %scan3A_169 : i32 to index
        %get3A_629 = arith.constant 816 : index
        %get3A_630 = tpu.vector_load %arg7[%get3A_628, %get3A_629] {strides = array<i32>} : memref<16x1024xf32, #tpu.memory_space<vmem>>, vector<16xf32>,
        %get3A_631 = arith.index_cast %scan3A_169 : i32 to index
        %get3A_632 = arith.constant 816 : index
        %get3A_633 = tpu.vector_load %arg8[%get3A_631, %get3A_632] {strides = array<i32>} : memref<16x1024xf32, #tpu.memory_space<vmem>>, vector<16xf32>,
        %sub3A_634 = arith.subf %get3A_630, %get3A_633 : vector<16xf32>
        %mul3A_635 = arith.mulf %sub3A_634, %sub3A_634 : vector<16xf32>
        %add3A_636 = arith.addf %add3A_564, %mul3A_635 : vector<16xf32>
        %get3A_637 = arith.index_cast %scan3A_169 : i32 to index
        %get3A_638 = arith.constant 832 : index
        %get3A_639 = tpu.vector_load %arg7[%get3A_637, %get3A_638] {strides = array<i32>} : memref<16x1024xf32, #tpu.memory_space<vmem>>, vector<16xf32>,
        %get3A_640 = arith.index_cast %scan3A_169 : i32 to index
        %get3A_641 = arith.constant 832 : index
        %get3A_642 = tpu.vector_load %arg8[%get3A_640, %get3A_641] {strides = array<i32>} : memref<16x1024xf32, #tpu.memory_space<vmem>>, vector<16xf32>,
        %sub3A_643 = arith.subf %get3A_639, %get3A_642 : vector<16xf32>
        %mul3A_644 = arith.mulf %sub3A_643, %sub3A_643 : vector<16xf32>
        %add3A_645 = arith.addf %add3A_573, %mul3A_644 : vector<16xf32>
        %get3A_646 = arith.index_cast %scan3A_169 : i32 to index
        %get3A_647 = arith.constant 848 : index
        %get3A_648 = tpu.vector_load %arg7[%get3A_646, %get3A_647] {strides = array<i32>} : memref<16x1024xf32, #tpu.memory_space<vmem>>, vector<16xf32>,
        %get3A_649 = arith.index_cast %scan3A_169 : i32 to index
        %get3A_650 = arith.constant 848 : index
        %get3A_651 = tpu.vector_load %arg8[%get3A_649, %get3A_650] {strides = array<i32>} : memref<16x1024xf32, #tpu.memory_space<vmem>>, vector<16xf32>,
        %sub3A_652 = arith.subf %get3A_648, %get3A_651 : vector<16xf32>
        %mul3A_653 = arith.mulf %sub3A_652, %sub3A_652 : vector<16xf32>
        %add3A_654 = arith.addf %add3A_582, %mul3A_653 : vector<16xf32>
        %get3A_655 = arith.index_cast %scan3A_169 : i32 to index
        %get3A_656 = arith.constant 864 : index
        %get3A_657 = tpu.vector_load %arg7[%get3A_655, %get3A_656] {strides = array<i32>} : memref<16x1024xf32, #tpu.memory_space<vmem>>, vector<16xf32>,
        %get3A_658 = arith.index_cast %scan3A_169 : i32 to index
        %get3A_659 = arith.constant 864 : index
        %get3A_660 = tpu.vector_load %arg8[%get3A_658, %get3A_659] {strides = array<i32>} : memref<16x1024xf32, #tpu.memory_space<vmem>>, vector<16xf32>,
        %sub3A_661 = arith.subf %get3A_657, %get3A_660 : vector<16xf32>
        %mul3A_662 = arith.mulf %sub3A_661, %sub3A_661 : vector<16xf32>
        %add3A_663 = arith.addf %add3A_591, %mul3A_662 : vector<16xf32>
        %get3A_664 = arith.index_cast %scan3A_169 : i32 to index
        %get3A_665 = arith.constant 880 : index
        %get3A_666 = tpu.vector_load %arg7[%get3A_664, %get3A_665] {strides = array<i32>} : memref<16x1024xf32, #tpu.memory_space<vmem>>, vector<16xf32>,
        %get3A_667 = arith.index_cast %scan3A_169 : i32 to index
        %get3A_668 = arith.constant 880 : index
        %get3A_669 = tpu.vector_load %arg8[%get3A_667, %get3A_668] {strides = array<i32>} : memref<16x1024xf32, #tpu.memory_space<vmem>>, vector<16xf32>,
        %sub3A_670 = arith.subf %get3A_666, %get3A_669 : vector<16xf32>
        %mul3A_671 = arith.mulf %sub3A_670, %sub3A_670 : vector<16xf32>
        %add3A_672 = arith.addf %add3A_600, %mul3A_671 : vector<16xf32>
        %get3A_673 = arith.index_cast %scan3A_169 : i32 to index
        %get3A_674 = arith.constant 896 : index
        %get3A_675 = tpu.vector_load %arg7[%get3A_673, %get3A_674] {strides = array<i32>} : memref<16x1024xf32, #tpu.memory_space<vmem>>, vector<16xf32>,
        %get3A_676 = arith.index_cast %scan3A_169 : i32 to index
        %get3A_677 = arith.constant 896 : index
        %get3A_678 = tpu.vector_load %arg8[%get3A_676, %get3A_677] {strides = array<i32>} : memref<16x1024xf32, #tpu.memory_space<vmem>>, vector<16xf32>,
        %sub3A_679 = arith.subf %get3A_675, %get3A_678 : vector<16xf32>
        %mul3A_680 = arith.mulf %sub3A_679, %sub3A_679 : vector<16xf32>
        %add3A_681 = arith.addf %add3A_609, %mul3A_680 : vector<16xf32>
        %get3A_682 = arith.index_cast %scan3A_169 : i32 to index
        %get3A_683 = arith.constant 912 : index
        %get3A_684 = tpu.vector_load %arg7[%get3A_682, %get3A_683] {strides = array<i32>} : memref<16x1024xf32, #tpu.memory_space<vmem>>, vector<16xf32>,
        %get3A_685 = arith.index_cast %scan3A_169 : i32 to index
        %get3A_686 = arith.constant 912 : index
        %get3A_687 = tpu.vector_load %arg8[%get3A_685, %get3A_686] {strides = array<i32>} : memref<16x1024xf32, #tpu.memory_space<vmem>>, vector<16xf32>,
        %sub3A_688 = arith.subf %get3A_684, %get3A_687 : vector<16xf32>
        %mul3A_689 = arith.mulf %sub3A_688, %sub3A_688 : vector<16xf32>
        %add3A_690 = arith.addf %add3A_618, %mul3A_689 : vector<16xf32>
        %get3A_691 = arith.index_cast %scan3A_169 : i32 to index
        %get3A_692 = arith.constant 928 : index
        %get3A_693 = tpu.vector_load %arg7[%get3A_691, %get3A_692] {strides = array<i32>} : memref<16x1024xf32, #tpu.memory_space<vmem>>, vector<16xf32>,
        %get3A_694 = arith.index_cast %scan3A_169 : i32 to index
        %get3A_695 = arith.constant 928 : index
        %get3A_696 = tpu.vector_load %arg8[%get3A_694, %get3A_695] {strides = array<i32>} : memref<16x1024xf32, #tpu.memory_space<vmem>>, vector<16xf32>,
        %sub3A_697 = arith.subf %get3A_693, %get3A_696 : vector<16xf32>
        %mul3A_698 = arith.mulf %sub3A_697, %sub3A_697 : vector<16xf32>
        %add3A_699 = arith.addf %add3A_627, %mul3A_698 : vector<16xf32>
        %get3A_700 = arith.index_cast %scan3A_169 : i32 to index
        %get3A_701 = arith.constant 944 : index
        %get3A_702 = tpu.vector_load %arg7[%get3A_700, %get3A_701] {strides = array<i32>} : memref<16x1024xf32, #tpu.memory_space<vmem>>, vector<16xf32>,
        %get3A_703 = arith.index_cast %scan3A_169 : i32 to index
        %get3A_704 = arith.constant 944 : index
        %get3A_705 = tpu.vector_load %arg8[%get3A_703, %get3A_704] {strides = array<i32>} : memref<16x1024xf32, #tpu.memory_space<vmem>>, vector<16xf32>,
        %sub3A_706 = arith.subf %get3A_702, %get3A_705 : vector<16xf32>
        %mul3A_707 = arith.mulf %sub3A_706, %sub3A_706 : vector<16xf32>
        %add3A_708 = arith.addf %add3A_636, %mul3A_707 : vector<16xf32>
        %get3A_709 = arith.index_cast %scan3A_169 : i32 to index
        %get3A_710 = arith.constant 960 : index
        %get3A_711 = tpu.vector_load %arg7[%get3A_709, %get3A_710] {strides = array<i32>} : memref<16x1024xf32, #tpu.memory_space<vmem>>, vector<16xf32>,
        %get3A_712 = arith.index_cast %scan3A_169 : i32 to index
        %get3A_713 = arith.constant 960 : index
        %get3A_714 = tpu.vector_load %arg8[%get3A_712, %get3A_713] {strides = array<i32>} : memref<16x1024xf32, #tpu.memory_space<vmem>>, vector<16xf32>,
        %sub3A_715 = arith.subf %get3A_711, %get3A_714 : vector<16xf32>
        %mul3A_716 = arith.mulf %sub3A_715, %sub3A_715 : vector<16xf32>
        %add3A_717 = arith.addf %add3A_645, %mul3A_716 : vector<16xf32>
        %get3A_718 = arith.index_cast %scan3A_169 : i32 to index
        %get3A_719 = arith.constant 976 : index
        %get3A_720 = tpu.vector_load %arg7[%get3A_718, %get3A_719] {strides = array<i32>} : memref<16x1024xf32, #tpu.memory_space<vmem>>, vector<16xf32>,
        %get3A_721 = arith.index_cast %scan3A_169 : i32 to index
        %get3A_722 = arith.constant 976 : index
        %get3A_723 = tpu.vector_load %arg8[%get3A_721, %get3A_722] {strides = array<i32>} : memref<16x1024xf32, #tpu.memory_space<vmem>>, vector<16xf32>,
        %sub3A_724 = arith.subf %get3A_720, %get3A_723 : vector<16xf32>
        %mul3A_725 = arith.mulf %sub3A_724, %sub3A_724 : vector<16xf32>
        %add3A_726 = arith.addf %add3A_654, %mul3A_725 : vector<16xf32>
        %get3A_727 = arith.index_cast %scan3A_169 : i32 to index
        %get3A_728 = arith.constant 992 : index
        %get3A_729 = tpu.vector_load %arg7[%get3A_727, %get3A_728] {strides = array<i32>} : memref<16x1024xf32, #tpu.memory_space<vmem>>, vector<16xf32>,
        %get3A_730 = arith.index_cast %scan3A_169 : i32 to index
        %get3A_731 = arith.constant 992 : index
        %get3A_732 = tpu.vector_load %arg8[%get3A_730, %get3A_731] {strides = array<i32>} : memref<16x1024xf32, #tpu.memory_space<vmem>>, vector<16xf32>,
        %sub3A_733 = arith.subf %get3A_729, %get3A_732 : vector<16xf32>
        %mul3A_734 = arith.mulf %sub3A_733, %sub3A_733 : vector<16xf32>
        %add3A_735 = arith.addf %add3A_663, %mul3A_734 : vector<16xf32>
        %get3A_736 = arith.index_cast %scan3A_169 : i32 to index
        %get3A_737 = arith.constant 1008 : index
        %get3A_738 = tpu.vector_load %arg7[%get3A_736, %get3A_737] {strides = array<i32>} : memref<16x1024xf32, #tpu.memory_space<vmem>>, vector<16xf32>,
        %get3A_739 = arith.index_cast %scan3A_169 : i32 to index
        %get3A_740 = arith.constant 1008 : index
        %get3A_741 = tpu.vector_load %arg8[%get3A_739, %get3A_740] {strides = array<i32>} : memref<16x1024xf32, #tpu.memory_space<vmem>>, vector<16xf32>,
        %sub3A_742 = arith.subf %get3A_738, %get3A_741 : vector<16xf32>
        %mul3A_743 = arith.mulf %sub3A_742, %sub3A_742 : vector<16xf32>
        %add3A_744 = arith.addf %add3A_672, %mul3A_743 : vector<16xf32>
        %add3A_745 = arith.addf %add3A_681, %add3A_690 : vector<16xf32>
        %add3A_746 = arith.addf %add3A_699, %add3A_708 : vector<16xf32>
        %add3A_747 = arith.addf %add3A_745, %add3A_746 : vector<16xf32>
        %add3A_748 = arith.addf %add3A_717, %add3A_726 : vector<16xf32>
        %add3A_749 = arith.addf %add3A_735, %add3A_744 : vector<16xf32>
        %add3A_750 = arith.addf %add3A_748, %add3A_749 : vector<16xf32>
        %add3A_751 = arith.addf %add3A_747, %add3A_750 : vector<16xf32>
        %swap3A_752 = arith.index_cast %scan3A_169 : i32 to index
        %swap3A_753 = arith.constant 0 : index
        %swap3A_754 = tpu.vector_load %arg9[%swap3A_752, %swap3A_753] {strides = array<i32>} : memref<16x16xf32, #tpu.memory_space<vmem>>, vector<16xf32>,
        tpu.vector_store %arg9[%swap3A_752, %swap3A_753], %add3A_751 {strides = array<i32>} : memref<16x16xf32, #tpu.memory_space<vmem>>, vector<16xf32>,
      }
      %scan3A_56 = arith.constant 16 : i32
      %broadcast_in_dim3A_57 = arith.constant 0 : i32
      %broadcast_in_dim3A_58 = vector.broadcast %broadcast_in_dim3A_57 : i32 to vector<16xi32>
      %gather3A = tpu.vector_load_idx %arg9[%iota3A, %broadcast_in_dim3A_58] : memref<16x16xf32, #tpu.memory_space<vmem>>[vector<16xi32>, vector<16xi32>], vector<16xf32>,
      %add3A_59 = arith.addf %broadcast_in_dim3A_5, %gather3A : vector<16xf32>
      %broadcast_in_dim3A_60 = arith.constant 1 : i32
      %broadcast_in_dim3A_61 = vector.broadcast %broadcast_in_dim3A_60 : i32 to vector<16xi32>
      %gather3A_62 = tpu.vector_load_idx %arg9[%iota3A, %broadcast_in_dim3A_61] : memref<16x16xf32, #tpu.memory_space<vmem>>[vector<16xi32>, vector<16xi32>], vector<16xf32>,
      %add3A_63 = arith.addf %add3A_59, %gather3A_62 : vector<16xf32>
      %broadcast_in_dim3A_64 = arith.constant 2 : i32
      %broadcast_in_dim3A_65 = vector.broadcast %broadcast_in_dim3A_64 : i32 to vector<16xi32>
      %gather3A_66 = tpu.vector_load_idx %arg9[%iota3A, %broadcast_in_dim3A_65] : memref<16x16xf32, #tpu.memory_space<vmem>>[vector<16xi32>, vector<16xi32>], vector<16xf32>,
      %add3A_67 = arith.addf %add3A_63, %gather3A_66 : vector<16xf32>
      %broadcast_in_dim3A_68 = arith.constant 3 : i32
      %broadcast_in_dim3A_69 = vector.broadcast %broadcast_in_dim3A_68 : i32 to vector<16xi32>
      %gather3A_70 = tpu.vector_load_idx %arg9[%iota3A, %broadcast_in_dim3A_69] : memref<16x16xf32, #tpu.memory_space<vmem>>[vector<16xi32>, vector<16xi32>], vector<16xf32>,
      %add3A_71 = arith.addf %add3A_67, %gather3A_70 : vector<16xf32>
      %broadcast_in_dim3A_72 = arith.constant 4 : i32
      %broadcast_in_dim3A_73 = vector.broadcast %broadcast_in_dim3A_72 : i32 to vector<16xi32>
      %gather3A_74 = tpu.vector_load_idx %arg9[%iota3A, %broadcast_in_dim3A_73] : memref<16x16xf32, #tpu.memory_space<vmem>>[vector<16xi32>, vector<16xi32>], vector<16xf32>,
      %add3A_75 = arith.addf %add3A_71, %gather3A_74 : vector<16xf32>
      %broadcast_in_dim3A_76 = arith.constant 5 : i32
      %broadcast_in_dim3A_77 = vector.broadcast %broadcast_in_dim3A_76 : i32 to vector<16xi32>
      %gather3A_78 = tpu.vector_load_idx %arg9[%iota3A, %broadcast_in_dim3A_77] : memref<16x16xf32, #tpu.memory_space<vmem>>[vector<16xi32>, vector<16xi32>], vector<16xf32>,
      %add3A_79 = arith.addf %add3A_75, %gather3A_78 : vector<16xf32>
      %broadcast_in_dim3A_80 = arith.constant 6 : i32
      %broadcast_in_dim3A_81 = vector.broadcast %broadcast_in_dim3A_80 : i32 to vector<16xi32>
      %gather3A_82 = tpu.vector_load_idx %arg9[%iota3A, %broadcast_in_dim3A_81] : memref<16x16xf32, #tpu.memory_space<vmem>>[vector<16xi32>, vector<16xi32>], vector<16xf32>,
      %add3A_83 = arith.addf %add3A_79, %gather3A_82 : vector<16xf32>
      %broadcast_in_dim3A_84 = arith.constant 7 : i32
      %broadcast_in_dim3A_85 = vector.broadcast %broadcast_in_dim3A_84 : i32 to vector<16xi32>
      %gather3A_86 = tpu.vector_load_idx %arg9[%iota3A, %broadcast_in_dim3A_85] : memref<16x16xf32, #tpu.memory_space<vmem>>[vector<16xi32>, vector<16xi32>], vector<16xf32>,
      %add3A_87 = arith.addf %add3A_83, %gather3A_86 : vector<16xf32>
      %broadcast_in_dim3A_88 = arith.constant 8 : i32
      %broadcast_in_dim3A_89 = vector.broadcast %broadcast_in_dim3A_88 : i32 to vector<16xi32>
      %gather3A_90 = tpu.vector_load_idx %arg9[%iota3A, %broadcast_in_dim3A_89] : memref<16x16xf32, #tpu.memory_space<vmem>>[vector<16xi32>, vector<16xi32>], vector<16xf32>,
      %add3A_91 = arith.addf %add3A_87, %gather3A_90 : vector<16xf32>
      %broadcast_in_dim3A_92 = arith.constant 9 : i32
      %broadcast_in_dim3A_93 = vector.broadcast %broadcast_in_dim3A_92 : i32 to vector<16xi32>
      %gather3A_94 = tpu.vector_load_idx %arg9[%iota3A, %broadcast_in_dim3A_93] : memref<16x16xf32, #tpu.memory_space<vmem>>[vector<16xi32>, vector<16xi32>], vector<16xf32>,
      %add3A_95 = arith.addf %add3A_91, %gather3A_94 : vector<16xf32>
      %broadcast_in_dim3A_96 = arith.constant 10 : i32
      %broadcast_in_dim3A_97 = vector.broadcast %broadcast_in_dim3A_96 : i32 to vector<16xi32>
      %gather3A_98 = tpu.vector_load_idx %arg9[%iota3A, %broadcast_in_dim3A_97] : memref<16x16xf32, #tpu.memory_space<vmem>>[vector<16xi32>, vector<16xi32>], vector<16xf32>,
      %add3A_99 = arith.addf %add3A_95, %gather3A_98 : vector<16xf32>
      %broadcast_in_dim3A_100 = arith.constant 11 : i32
      %broadcast_in_dim3A_101 = vector.broadcast %broadcast_in_dim3A_100 : i32 to vector<16xi32>
      %gather3A_102 = tpu.vector_load_idx %arg9[%iota3A, %broadcast_in_dim3A_101] : memref<16x16xf32, #tpu.memory_space<vmem>>[vector<16xi32>, vector<16xi32>], vector<16xf32>,
      %add3A_103 = arith.addf %add3A_99, %gather3A_102 : vector<16xf32>
      %broadcast_in_dim3A_104 = arith.constant 12 : i32
      %broadcast_in_dim3A_105 = vector.broadcast %broadcast_in_dim3A_104 : i32 to vector<16xi32>
      %gather3A_106 = tpu.vector_load_idx %arg9[%iota3A, %broadcast_in_dim3A_105] : memref<16x16xf32, #tpu.memory_space<vmem>>[vector<16xi32>, vector<16xi32>], vector<16xf32>,
      %add3A_107 = arith.addf %add3A_103, %gather3A_106 : vector<16xf32>
      %broadcast_in_dim3A_108 = arith.constant 13 : i32
      %broadcast_in_dim3A_109 = vector.broadcast %broadcast_in_dim3A_108 : i32 to vector<16xi32>
      %gather3A_110 = tpu.vector_load_idx %arg9[%iota3A, %broadcast_in_dim3A_109] : memref<16x16xf32, #tpu.memory_space<vmem>>[vector<16xi32>, vector<16xi32>], vector<16xf32>,
      %add3A_111 = arith.addf %add3A_107, %gather3A_110 : vector<16xf32>
      %broadcast_in_dim3A_112 = arith.constant 14 : i32
      %broadcast_in_dim3A_113 = vector.broadcast %broadcast_in_dim3A_112 : i32 to vector<16xi32>
      %gather3A_114 = tpu.vector_load_idx %arg9[%iota3A, %broadcast_in_dim3A_113] : memref<16x16xf32, #tpu.memory_space<vmem>>[vector<16xi32>, vector<16xi32>], vector<16xf32>,
      %add3A_115 = arith.addf %add3A_111, %gather3A_114 : vector<16xf32>
      %broadcast_in_dim3A_116 = arith.constant 15 : i32
      %broadcast_in_dim3A_117 = vector.broadcast %broadcast_in_dim3A_116 : i32 to vector<16xi32>
      %gather3A_118 = tpu.vector_load_idx %arg9[%iota3A, %broadcast_in_dim3A_117] : memref<16x16xf32, #tpu.memory_space<vmem>>[vector<16xi32>, vector<16xi32>], vector<16xf32>,
      %add3A_119 = arith.addf %add3A_115, %gather3A_118 : vector<16xf32>
      %ne3A = arith.constant 0 : i32
      %ne3A_120 = vector.broadcast %ne3A : i32 to vector<16xi32>
      %ne3A_121 = arith.cmpi ne, %get3A_51, %ne3A_120 : vector<16xi32>
      %eq3A = arith.constant 0 : i32
      %eq3A_122 = vector.broadcast %eq3A : i32 to vector<16xi32>
      %eq3A_123 = arith.cmpi eq, %get3A_51, %eq3A_122 : vector<16xi32>
      %eq3A_124 = arith.constant 31 : i32
      %eq3A_125 = vector.broadcast %eq3A_124 : i32 to vector<16xi32>
      %eq3A_126 = arith.cmpi eq, %get3A_51, %eq3A_125 : vector<16xi32>
      %or3A = arith.ori %eq3A_123, %eq3A_126 : vector<16xi1>
      %eq3A_127 = arith.constant 20 : i32
      %eq3A_128 = vector.broadcast %eq3A_127 : i32 to vector<16xi32>
      %eq3A_129 = arith.cmpi eq, %get3A_51, %eq3A_128 : vector<16xi32>
      %or3A_130 = arith.ori %or3A, %eq3A_129 : vector<16xi1>
      %eq3A_131 = arith.constant 48 : i32
      %eq3A_132 = vector.broadcast %eq3A_131 : i32 to vector<16xi32>
      %eq3A_133 = arith.cmpi eq, %get3A_51, %eq3A_132 : vector<16xi32>
      %or3A_134 = arith.ori %or3A_130, %eq3A_133 : vector<16xi1>
      %eq3A_135 = arith.constant 30 : i32
      %eq3A_136 = vector.broadcast %eq3A_135 : i32 to vector<16xi32>
      %eq3A_137 = arith.cmpi eq, %get3A_51, %eq3A_136 : vector<16xi32>
      %or3A_138 = arith.ori %or3A_134, %eq3A_137 : vector<16xi1>
      %eq3A_139 = arith.constant 22 : i32
      %eq3A_140 = vector.broadcast %eq3A_139 : i32 to vector<16xi32>
      %eq3A_141 = arith.cmpi eq, %get3A_51, %eq3A_140 : vector<16xi32>
      %or3A_142 = arith.ori %or3A_138, %eq3A_141 : vector<16xi1>
      %eq3A_143 = arith.constant 29 : i32
      %eq3A_144 = vector.broadcast %eq3A_143 : i32 to vector<16xi32>
      %eq3A_145 = arith.cmpi eq, %get3A_51, %eq3A_144 : vector<16xi32>
      %or3A_146 = arith.ori %or3A_142, %eq3A_145 : vector<16xi1>
      %eq3A_147 = arith.constant 8 : i32
      %eq3A_148 = vector.broadcast %eq3A_147 : i32 to vector<16xi32>
      %eq3A_149 = arith.cmpi eq, %get3A_51, %eq3A_148 : vector<16xi32>
      %or3A_150 = arith.ori %or3A_146, %eq3A_149 : vector<16xi1>
      %eq3A_151 = arith.constant 50 : i32
      %eq3A_152 = vector.broadcast %eq3A_151 : i32 to vector<16xi32>
      %eq3A_153 = arith.cmpi eq, %get3A_51, %eq3A_152 : vector<16xi32>
      %or3A_154 = arith.ori %or3A_150, %eq3A_153 : vector<16xi1>
      %eq3A_155 = arith.constant 21 : i32
      %eq3A_156 = vector.broadcast %eq3A_155 : i32 to vector<16xi32>
      %eq3A_157 = arith.cmpi eq, %get3A_51, %eq3A_156 : vector<16xi32>
      %or3A_158 = arith.ori %or3A_154, %eq3A_157 : vector<16xi1>
      %max3A = arith.constant 9.99999993E-9 : f32
      %max3A_159 = vector.broadcast %max3A : f32 to vector<16xf32>
      %max3A_160 = arith.maximumf %add3A_119, %max3A_159 : vector<16xf32>
      %min3A = arith.constant 1.000000e+08 : f32
      %min3A_161 = vector.broadcast %min3A : f32 to vector<16xf32>
      %min3A_162 = arith.minimumf %max3A_160, %min3A_161 : vector<16xf32>
      %select_n3A = arith.select %ne3A_121, %min3A_162, %broadcast_in_dim3A_5 : vector<16xi1>, vector<16xf32>
      %add3A_163 = arith.addf %scan3A_27, %select_n3A : vector<16xf32>
      %select_n3A_164 = arith.select %or3A_158, %min3A_162, %broadcast_in_dim3A_9 : vector<16xi1>, vector<16xf32>
      %select_n3A_165 = arith.select %ne3A_121, %select_n3A_164, %broadcast_in_dim3A_5 : vector<16xi1>, vector<16xf32>
      %add3A_166 = arith.addf %scan3A_28, %select_n3A_165 : vector<16xf32>
      %select_n3A_167 = arith.select %ne3A_121, %broadcast_in_dim3A_7, %broadcast_in_dim3A_5 : vector<16xi1>, vector<16xf32>
      %add3A_168 = arith.addf %scan3A_29, %select_n3A_167 : vector<16xf32>
      scf.yield %add3A_163, %add3A_166, %add3A_168 : vector<16xf32>, vector<16xf32>, vector<16xf32>
    }
    %scan3A_14 = arith.constant 8 : i32
    %swap3A = arith.constant 0 : i32
    %swap3A_15 = arith.index_cast %swap3A : i32 to index
    %swap3A_16 = arith.constant 0 : index
    %swap3A_17 = tpu.vector_load %arg10[%swap3A_15, %swap3A_16] {strides = array<i32>} : memref<3x16xf32, #tpu.memory_space<vmem>>, vector<16xf32>,
    tpu.vector_store %arg10[%swap3A_15, %swap3A_16], %scan3A_13#0 {strides = array<i32>} : memref<3x16xf32, #tpu.memory_space<vmem>>, vector<16xf32>,
    %swap3A_18 = arith.constant 1 : i32
    %swap3A_19 = arith.index_cast %swap3A_18 : i32 to index
    %swap3A_20 = arith.constant 0 : index
    %swap3A_21 = tpu.vector_load %arg10[%swap3A_19, %swap3A_20] {strides = array<i32>} : memref<3x16xf32, #tpu.memory_space<vmem>>, vector<16xf32>,
    tpu.vector_store %arg10[%swap3A_19, %swap3A_20], %scan3A_13#1 {strides = array<i32>} : memref<3x16xf32, #tpu.memory_space<vmem>>, vector<16xf32>,
    %swap3A_22 = arith.constant 2 : i32
    %swap3A_23 = arith.index_cast %swap3A_22 : i32 to index
    %swap3A_24 = arith.constant 0 : index
    %swap3A_25 = tpu.vector_load %arg10[%swap3A_23, %swap3A_24] {strides = array<i32>} : memref<3x16xf32, #tpu.memory_space<vmem>>, vector<16xf32>,
    tpu.vector_store %arg10[%swap3A_23, %swap3A_24], %scan3A_13#2 {strides = array<i32>} : memref<3x16xf32, #tpu.memory_space<vmem>>, vector<16xf32>,
    "tpu.region"() ({
      %run_scoped3A = tpu.sem_alloc : memref<!tpu.dma_semaphore, #tpu.memory_space<semaphore_mem>>
      %dma_start3A = arith.constant 0 : i32
      %dma_start3A_26 = arith.constant 0 : i32
      %dma_start3A_27 = tpu.memref_slice %arg5[%add3A, %dma_start3A, %dma_start3A_26] : memref<32x3x16xf32, #tpu.memory_space<hbm>> -> memref<1x3x16xf32, #tpu.memory_space<hbm>>
      %dma_start3A_28 = tpu.memref_squeeze %dma_start3A_27 : memref<1x3x16xf32, #tpu.memory_space<hbm>> -> memref<3x16xf32, #tpu.memory_space<hbm>>
      %dma_start3A_29 = arith.constant 0 : i32
      %dma_start3A_30 = arith.constant 0 : i32
      %dma_start3A_31 = tpu.memref_slice %arg5[%add3A, %dma_start3A_29, %dma_start3A_30] : memref<32x3x16xf32, #tpu.memory_space<hbm>> -> memref<1x3x16xf32, #tpu.memory_space<hbm>>
      %dma_start3A_32 = tpu.memref_squeeze %dma_start3A_31 : memref<1x3x16xf32, #tpu.memory_space<hbm>> -> memref<3x16xf32, #tpu.memory_space<hbm>>
      tpu.enqueue_dma source(%arg10 : memref<3x16xf32, #tpu.memory_space<vmem>>) target(%dma_start3A_32 : memref<3x16xf32, #tpu.memory_space<hbm>>) target_semaphore(%run_scoped3A : memref<!tpu.dma_semaphore, #tpu.memory_space<semaphore_mem>>)
      %dma_wait3A = arith.constant 0 : i32
      %dma_wait3A_33 = arith.constant 0 : i32
      %dma_wait3A_34 = tpu.memref_slice %arg5[%add3A, %dma_wait3A, %dma_wait3A_33] : memref<32x3x16xf32, #tpu.memory_space<hbm>> -> memref<1x3x16xf32, #tpu.memory_space<hbm>>
      %dma_wait3A_35 = tpu.memref_squeeze %dma_wait3A_34 : memref<1x3x16xf32, #tpu.memory_space<hbm>> -> memref<3x16xf32, #tpu.memory_space<hbm>>
      %dma_wait3A_36 = arith.constant 0 : i32
      %dma_wait3A_37 = arith.constant 0 : i32
      %dma_wait3A_38 = tpu.memref_slice %arg5[%add3A, %dma_wait3A_36, %dma_wait3A_37] : memref<32x3x16xf32, #tpu.memory_space<hbm>> -> memref<1x3x16xf32, #tpu.memory_space<hbm>>
      %dma_wait3A_39 = tpu.memref_squeeze %dma_wait3A_38 : memref<1x3x16xf32, #tpu.memory_space<hbm>> -> memref<3x16xf32, #tpu.memory_space<hbm>>
      tpu.wait_dma2 semaphore(%run_scoped3A : memref<!tpu.dma_semaphore, #tpu.memory_space<semaphore_mem>>) src(%arg10 : memref<3x16xf32, #tpu.memory_space<vmem>>) dst(%dma_wait3A_39 : memref<3x16xf32, #tpu.memory_space<hbm>>)
      tpu.yield
    }) : () -> ()
    return
  }
}

module attributes {stable_mosaic.version = 14 : i64} {
  func.func @_tc_body(%arg0: i32, %arg1: memref<2048x1024xf32, #tpu.memory_space<vmem>>, %arg2: memref<1x1x2048xi32, #tpu.memory_space<vmem>>, %arg3: memref<64x1024xf32, #tpu.memory_space<vmem>>, %arg4: memref<64x8xf32, #tpu.memory_space<vmem>>, %arg5: memref<1x8x128xf32, #tpu.memory_space<vmem>>) attributes {dimension_semantics = [#tpu.dimension_semantics<arbitrary>], iteration_bounds = array<i64: 6>, scalar_prefetch = 0 : i64, scratch_operands = 0 : i64, tpu.core_type = #tpu.core_type<tc>, window_params = [{transform_indices = @transform_0, window_bounds = array<i64: 2048, 1024>}, {transform_indices = @transform_1, window_bounds = array<i64: 1, 1, 2048>}, {pipeline_mode = #tpu.pipeline_mode<synchronous>, transform_indices = @transform_2, window_bounds = array<i64: 64, 1024>}, {pipeline_mode = #tpu.pipeline_mode<synchronous>, transform_indices = @transform_3, window_bounds = array<i64: 64, 8>}, {transform_indices = @transform_4, window_bounds = array<i64: 1, 8, 128>}]} {
    %get3A = arith.constant 0 : index
    %get3A_0 = arith.constant 0 : index
    %get3A_1 = vector.load %arg1[%get3A, %get3A_0] : memref<2048x1024xf32, #tpu.memory_space<vmem>>, vector<2048x1024xf32>
    %get3A_2 = arith.constant 0 : index
    %get3A_3 = arith.constant 0 : index
    %get3A_4 = arith.constant 0 : index
    %get3A_5 = vector.load %arg2[%get3A_2, %get3A_3, %get3A_4] : memref<1x1x2048xi32, #tpu.memory_space<vmem>>, vector<1x1x2048xi32>
    %get3A_6 = vector.shape_cast %get3A_5 : vector<1x1x2048xi32> to vector<1x2048xi32>
    %iota3A = tpu.iota {dimensions = array<i32: 0>} : vector<64x2048xi32>
    %eq3A = vector.broadcast %get3A_6 : vector<1x2048xi32> to vector<64x2048xi32>
    %eq3A_7 = arith.cmpi eq, %iota3A, %eq3A : vector<64x2048xi32>
    %convert_element_type3A = arith.extui %eq3A_7 : vector<64x2048xi1> to vector<64x2048xi32>
    %convert_element_type3A_8 = arith.sitofp %convert_element_type3A : vector<64x2048xi32> to vector<64x2048xf32>
    %get3A_9 = arith.constant 0 : index
    %get3A_10 = arith.constant 0 : index
    %get3A_11 = vector.load %arg3[%get3A_9, %get3A_10] : memref<64x1024xf32, #tpu.memory_space<vmem>>, vector<64x1024xf32>
    %get3A_12 = arith.constant 0 : index
    %get3A_13 = arith.constant 0 : index
    %get3A_14 = vector.load %arg3[%get3A_12, %get3A_13] : memref<64x1024xf32, #tpu.memory_space<vmem>>, vector<64x1024xf32>
    %mul3A = arith.mulf %get3A_11, %get3A_14 : vector<64x1024xf32>
    %reduce_sum3A = arith.constant dense<0.000000e+00> : vector<64xf32>
    %reduce_sum3A_15 = vector.multi_reduction <add>, %mul3A, %reduce_sum3A [1] : vector<64x1024xf32> to vector<64xf32>
    %broadcast_in_dim3A = vector.shape_cast %reduce_sum3A_15 : vector<64xf32> to vector<64x1xf32>
    %iota3A_16 = tpu.iota {dimensions = array<i32: 1>} : vector<64x8xi32>
    %eq3A_17 = arith.constant 7 : i32
    %eq3A_18 = vector.broadcast %eq3A_17 : i32 to vector<64x8xi32>
    %eq3A_19 = arith.cmpi eq, %iota3A_16, %eq3A_18 : vector<64x8xi32>
    %get3A_20 = arith.constant 0 : index
    %get3A_21 = arith.constant 0 : index
    %get3A_22 = vector.load %arg4[%get3A_20, %get3A_21] : memref<64x8xf32, #tpu.memory_space<vmem>>, vector<64x8xf32>
    %broadcast_in_dim3A_23 = vector.shape_cast %broadcast_in_dim3A : vector<64x1xf32> to vector<64x1xf32>
    %broadcast_in_dim3A_24 = vector.broadcast %broadcast_in_dim3A_23 : vector<64x1xf32> to vector<64x8xf32>
    %select_n3A = arith.select %eq3A_19, %broadcast_in_dim3A_24, %get3A_22 : vector<64x8xi1>, vector<64x8xf32>
    %dot_general3A = arith.constant dense<0.000000e+00> : vector<2048x8xf32>
    %dot_general3A_25 = tpu.matmul %convert_element_type3A_8, %select_n3A, %dot_general3A {dimension_numbers = #tpu.dot_dimension_numbers<[0], [0], [1], [1], [0, 1, 1, 1], [], []>, transpose_lhs_hint = false} : vector<64x2048xf32>, vector<64x8xf32>, vector<2048x8xf32> -> vector<2048x8xf32>
    %slice3A = vector.extract_strided_slice %dot_general3A_25 {offsets = [0, 0], sizes = [2048, 1], strides = [1, 1]} : vector<2048x8xf32> to vector<2048x1xf32>
    %slice3A_26 = vector.extract_strided_slice %dot_general3A_25 {offsets = [0, 1], sizes = [2048, 1], strides = [1, 1]} : vector<2048x8xf32> to vector<2048x1xf32>
    %slice3A_27 = vector.extract_strided_slice %dot_general3A_25 {offsets = [0, 2], sizes = [2048, 1], strides = [1, 1]} : vector<2048x8xf32> to vector<2048x1xf32>
    %slice3A_28 = vector.extract_strided_slice %dot_general3A_25 {offsets = [0, 3], sizes = [2048, 1], strides = [1, 1]} : vector<2048x8xf32> to vector<2048x1xf32>
    %slice3A_29 = vector.extract_strided_slice %dot_general3A_25 {offsets = [0, 7], sizes = [2048, 1], strides = [1, 1]} : vector<2048x8xf32> to vector<2048x1xf32>
    %get3A_30 = arith.constant 0 : index
    %get3A_31 = arith.constant 0 : index
    %get3A_32 = vector.load %arg3[%get3A_30, %get3A_31] : memref<64x1024xf32, #tpu.memory_space<vmem>>, vector<64x1024xf32>
    %dot_general3A_33 = arith.constant dense<0.000000e+00> : vector<2048x64xf32>
    %dot_general3A_34 = tpu.matmul %get3A_1, %get3A_32, %dot_general3A_33 {dimension_numbers = #tpu.dot_dimension_numbers<[1], [1], [0], [0], [0, 0, 1, 0], [], []>, transpose_lhs_hint = false} : vector<2048x1024xf32>, vector<64x1024xf32>, vector<2048x64xf32> -> vector<2048x64xf32>
    %broadcast_in_dim3A_35 = arith.constant 1.000000e+00 : f32
    %broadcast_in_dim3A_36 = vector.broadcast %broadcast_in_dim3A_35 : f32 to vector<1024x8xf32>
    %mul3A_37 = arith.mulf %get3A_1, %get3A_1 : vector<2048x1024xf32>
    %dot_general3A_38 = arith.constant dense<0.000000e+00> : vector<2048x8xf32>
    %dot_general3A_39 = tpu.matmul %mul3A_37, %broadcast_in_dim3A_36, %dot_general3A_38 {dimension_numbers = #tpu.dot_dimension_numbers<[1], [0], [0], [1], [0, 0, 1, 1], [], []>, transpose_lhs_hint = false} : vector<2048x1024xf32>, vector<1024x8xf32>, vector<2048x8xf32> -> vector<2048x8xf32>
    %slice3A_40 = vector.extract_strided_slice %dot_general3A_39 {offsets = [0, 0], sizes = [2048, 1], strides = [1, 1]} : vector<2048x8xf32> to vector<2048x1xf32>
    %iota3A_41 = tpu.iota {dimensions = array<i32: 1>} : vector<2048x64xi32>
    %convert_element_type3A_42 = arith.fptosi %slice3A_28 : vector<2048x1xf32> to vector<2048x1xi32>
    %eq3A_43 = vector.broadcast %convert_element_type3A_42 : vector<2048x1xi32> to vector<2048x64xi32>
    %eq3A_44 = arith.cmpi eq, %iota3A_41, %eq3A_43 : vector<2048x64xi32>
    %convert_element_type3A_45 = arith.extui %eq3A_44 : vector<2048x64xi1> to vector<2048x64xi32>
    %convert_element_type3A_46 = arith.sitofp %convert_element_type3A_45 : vector<2048x64xi32> to vector<2048x64xf32>
    %mul3A_47 = arith.mulf %dot_general3A_34, %convert_element_type3A_46 : vector<2048x64xf32>
    %reduce_sum3A_48 = arith.constant dense<0.000000e+00> : vector<2048xf32>
    %reduce_sum3A_49 = vector.multi_reduction <add>, %mul3A_47, %reduce_sum3A_48 [1] : vector<2048x64xf32> to vector<2048xf32>
    %broadcast_in_dim3A_50 = vector.shape_cast %reduce_sum3A_49 : vector<2048xf32> to vector<2048x1xf32>
    %add3A = arith.addf %slice3A_40, %slice3A_29 : vector<2048x1xf32>
    %mul3A_51 = arith.constant 2.000000e+00 : f32
    %mul3A_52 = vector.broadcast %mul3A_51 : f32 to vector<2048x1xf32>
    %mul3A_53 = arith.mulf %mul3A_52, %broadcast_in_dim3A_50 : vector<2048x1xf32>
    %sub3A = arith.subf %add3A, %mul3A_53 : vector<2048x1xf32>
    %jit3A = arith.constant 9.99999993E-9 : f32
    %jit3A_54 = arith.constant 1.000000e+08 : f32
    %max3A = vector.broadcast %jit3A : f32 to vector<2048x1xf32>
    %max3A_55 = arith.maximumf %max3A, %sub3A : vector<2048x1xf32>
    %min3A = vector.broadcast %jit3A_54 : f32 to vector<2048x1xf32>
    %min3A_56 = arith.minimumf %min3A, %max3A_55 : vector<2048x1xf32>
    %mul3A_57 = arith.mulf %slice3A, %min3A_56 : vector<2048x1xf32>
    %reduce_sum3A_58 = vector.shape_cast %mul3A_57 : vector<2048x1xf32> to vector<1x2048x1xf32>
    %reduce_sum3A_59 = arith.constant dense<0.000000e+00> : vector<1xf32>
    %reduce_sum3A_60 = vector.multi_reduction <add>, %reduce_sum3A_58, %reduce_sum3A_59 [1, 2] : vector<1x2048x1xf32> to vector<1xf32>
    %reduce_sum3A_61 = vector.shape_cast %reduce_sum3A_60 : vector<1xf32> to vector<1x1x1xf32>
    %reduce_sum3A_62 = vector.extract %reduce_sum3A_61[0, 0, 0] : f32 from vector<1x1x1xf32>
    %mul3A_63 = arith.mulf %slice3A_26, %min3A_56 : vector<2048x1xf32>
    %mul3A_64 = arith.constant 9.99999993E-9 : f32
    %mul3A_65 = vector.broadcast %mul3A_64 : f32 to vector<2048x1xf32>
    %mul3A_66 = arith.mulf %slice3A_27, %mul3A_65 : vector<2048x1xf32>
    %add3A_67 = arith.addf %mul3A_63, %mul3A_66 : vector<2048x1xf32>
    %reduce_sum3A_68 = vector.shape_cast %add3A_67 : vector<2048x1xf32> to vector<1x2048x1xf32>
    %reduce_sum3A_69 = arith.constant dense<0.000000e+00> : vector<1xf32>
    %reduce_sum3A_70 = vector.multi_reduction <add>, %reduce_sum3A_68, %reduce_sum3A_69 [1, 2] : vector<1x2048x1xf32> to vector<1xf32>
    %reduce_sum3A_71 = vector.shape_cast %reduce_sum3A_70 : vector<1xf32> to vector<1x1x1xf32>
    %reduce_sum3A_72 = vector.extract %reduce_sum3A_71[0, 0, 0] : f32 from vector<1x1x1xf32>
    %reduce_sum3A_73 = vector.shape_cast %slice3A : vector<2048x1xf32> to vector<1x2048x1xf32>
    %reduce_sum3A_74 = arith.constant dense<0.000000e+00> : vector<1xf32>
    %reduce_sum3A_75 = vector.multi_reduction <add>, %reduce_sum3A_73, %reduce_sum3A_74 [1, 2] : vector<1x2048x1xf32> to vector<1xf32>
    %reduce_sum3A_76 = vector.shape_cast %reduce_sum3A_75 : vector<1xf32> to vector<1x1x1xf32>
    %reduce_sum3A_77 = vector.extract %reduce_sum3A_76[0, 0, 0] : f32 from vector<1x1x1xf32>
    %iota3A_78 = tpu.iota {dimensions = array<i32: 0>} : vector<8x128xi32>
    %eq3A_79 = arith.constant 0 : i32
    %eq3A_80 = vector.broadcast %eq3A_79 : i32 to vector<8x128xi32>
    %eq3A_81 = arith.cmpi eq, %iota3A_78, %eq3A_80 : vector<8x128xi32>
    %eq3A_82 = arith.constant 1 : i32
    %eq3A_83 = vector.broadcast %eq3A_82 : i32 to vector<8x128xi32>
    %eq3A_84 = arith.cmpi eq, %iota3A_78, %eq3A_83 : vector<8x128xi32>
    %eq3A_85 = arith.constant 2 : i32
    %eq3A_86 = vector.broadcast %eq3A_85 : i32 to vector<8x128xi32>
    %eq3A_87 = arith.cmpi eq, %iota3A_78, %eq3A_86 : vector<8x128xi32>
    %jit3A_88 = arith.constant 0.000000e+00 : f32
    %broadcast_in_dim3A_89 = vector.broadcast %reduce_sum3A_77 : f32 to vector<8x128xf32>
    %broadcast_in_dim3A_90 = vector.broadcast %jit3A_88 : f32 to vector<8x128xf32>
    %select_n3A_91 = arith.select %eq3A_87, %broadcast_in_dim3A_89, %broadcast_in_dim3A_90 : vector<8x128xi1>, vector<8x128xf32>
    %broadcast_in_dim3A_92 = vector.broadcast %reduce_sum3A_72 : f32 to vector<8x128xf32>
    %select_n3A_93 = arith.select %eq3A_84, %broadcast_in_dim3A_92, %select_n3A_91 : vector<8x128xi1>, vector<8x128xf32>
    %broadcast_in_dim3A_94 = vector.broadcast %reduce_sum3A_62 : f32 to vector<8x128xf32>
    %select_n3A_95 = arith.select %eq3A_81, %broadcast_in_dim3A_94, %select_n3A_93 : vector<8x128xi1>, vector<8x128xf32>
    %swap3A = arith.constant 0 : index
    %swap3A_96 = arith.constant 0 : index
    %swap3A_97 = arith.constant 0 : index
    %swap3A_98 = vector.load %arg5[%swap3A, %swap3A_96, %swap3A_97] : memref<1x8x128xf32, #tpu.memory_space<vmem>>, vector<1x8x128xf32>
    %swap3A_99 = vector.shape_cast %swap3A_98 : vector<1x8x128xf32> to vector<8x128xf32>
    %swap3A_100 = vector.shape_cast %select_n3A_95 : vector<8x128xf32> to vector<1x8x128xf32>
    tpu.vector_store %arg5[%swap3A, %swap3A_96, %swap3A_97], %swap3A_100 {strides = array<i32>} : memref<1x8x128xf32, #tpu.memory_space<vmem>>, vector<1x8x128xf32>,
    return
  }
  func.func @transform_0(%arg0: i32) -> (i32, i32) {
    %c0_i32 = arith.constant 0 : i32
    %c0_i32_0 = arith.constant 0 : i32
    return %arg0, %c0_i32 : i32, i32
  }
  func.func @transform_1(%arg0: i32) -> (i32, i32, i32) {
    %c0_i32 = arith.constant 0 : i32
    %c0_i32_0 = arith.constant 0 : i32
    %c0_i32_1 = arith.constant 0 : i32
    return %arg0, %c0_i32, %c0_i32_0 : i32, i32, i32
  }
  func.func @transform_2(%arg0: i32) -> (i32, i32) {
    %c0_i32 = arith.constant 0 : i32
    %c0_i32_0 = arith.constant 0 : i32
    %c0_i32_1 = arith.constant 0 : i32
    return %c0_i32, %c0_i32_0 : i32, i32
  }
  func.func @transform_3(%arg0: i32) -> (i32, i32) {
    %c0_i32 = arith.constant 0 : i32
    %c0_i32_0 = arith.constant 0 : i32
    %c0_i32_1 = arith.constant 0 : i32
    return %c0_i32, %c0_i32_0 : i32, i32
  }
  func.func @transform_4(%arg0: i32) -> (i32, i32, i32) {
    %c0_i32 = arith.constant 0 : i32
    %c0_i32_0 = arith.constant 0 : i32
    %c0_i32_1 = arith.constant 0 : i32
    return %arg0, %c0_i32, %c0_i32_0 : i32, i32, i32
  }
}

</mosaic_0001>

<sc_bundles>
// kernel: _run.4.cloned.1.call-start
scs
__scs_entry_jumppad:
0x0: {  	(pc) =	sbr.rel $0x88, $3  }
0x1: {  	(tag) =	ssettag $0x0;
	lr =	simm.s32 $0x1  }
0x2: {  	[smem:$0x3F9E] =	sst lr;
	_ =	strace $0xD0000000  }
0x3: {  	_ = 	snop  }
0x4: {  	_ = 	snop  }
0x5: {  	_ = 	snop  }
0x6: {  	_ = 	snop  }
0x7: {  	_ = 	snop  }
__scs_overlays_trampoline_lowered:
0x8: {  	[smem:$0x3FAD] =	sst s0  }
0x9: {  	[smem:$0x3FAE] =	sst s1  }
0xa: {  	[smem:$0x3FAF] =	sst s2  }
0xb: {  	[smem:$0x3FB0] =	sst s3  }
0xc: {  	[smem:$0x3FB1] =	sst s4  }
0xd: {  	[smem:$0x3FB2] =	sst s5  }
0xe: {  	[smem:$0x3FB3] =	sst s6  }
0xf: {  	[smem:$0x3FB4] =	sst s7  }
0x10: {  	[smem:$0x3FB5] =	sst s8  }
0x11: {  	[smem:$0x3FB6] =	sst s9;
	s0 =	simm.s32 @!p0 $0x0  }
0x12: {  	s1 =	sld [smem:$0x3F9C];
	s0 =	simm.s32 @p0 $0x1  }
0x13: {  	[smem:$0x3FB7] =	sst s0;
	s0 =	simm.s32 @!p1 $0x0  }
0x14: {  	s2 =	sld [smem:$0x3F9B];
	s0 =	simm.s32 @p1 $0x1  }
0x15: {  	[smem:$0x3FB8] =	sst s0;
	s0 =	simm.s32 @!p2 $0x0  }
0x16: {  	s3 =	sld [smem:$0x3FDB];
	s0 =	simm.s32 @p2 $0x1  }
0x17: {  	s4 =	simm.s32 $0x1BF5;
	[smem:$0x3FBA] =	sst s0  }
0x18: {  	s0 =	sld [smem:$0x3F9D];
	_ =	swait.ge [sflag:s4], $0x0  }
0x19: {  	s7 =	sld [smem:$0x3F9E]  }
0x1a: {  	s8 =	sadd.s32 $0xFFFFE003, lr  }
0x1b: {  	s9 =	sadd.s32 $0xFFFFFEF7, lr;
	s5 =	simm.s32 $0xFFFFFFFF;
	p2 =	slt.u32 s8, $0xFFFFF086  }
0x1c: {  	p1 =	slt.u32 s9, $0xF7A;
	s5 =	simm.s32 @!p2 $0x0  }
0x1d: {  	s5 =	simm.s32 @p1 $0x1;
	p0 =	seq.s32 s7, s2  }
0x1e: {  	s7 =	smul.u32 @!p0 $0xF7A, s2;
	p2 =	seq.s32 @!p0 s5, $0x0  }
0x1f: {  	s9 =	smul.u32 $0xF7A, s1;
	s8 =	simm.s32 @!p0 $0x1BF5;
	p2 =	por !p2, p0  }
0x20: {  	[sflag:s8] =	ssyncset.s32 @!p0 $0xFFFFF086;
	s6 =	sadd.s32 @!p0 s3, s7;
	s7 =	simm.s32 @!p0 $0x108  }
0x21: {  	s3 =	sadd.s32 s3, s9;
	s6 =	sadd.s32 @!p0 $0x88, s6;
	s7 =	simm.s32 @p2 $0x1082  }
0x22: {  	[simem:s7], [sflag:s8] =	dma.local @!p0 [hbm:s6], $0xF7A  }
0x23: {  	s9 =	sor.u32 $0xD0000000, s2;
	s6 =	simm.s32 $0x108;
	_ =	swait.ge @!p0 [sflag:s8], $0x0  }
0x24: {  	s3 =	sadd.s32 $0x88, s3;
	s6 =	simm.s32 @!p1 $0x1082;
	[sflag:s4] =	ssyncset.s32 $0xFFFFF086  }
0x25: {  	[simem:s6], [sflag:s4] =	dma.local [hbm:s3], $0xF7A  }
0x26: {  	[smem:$0x3F9E] =	sst s1;
	(tag) =	ssettag s2;
	_ =	strace s9  }
0x27: {  	s1 =	sld [smem:$0x3FAE]  }
0x28: {  	s2 =	sld [smem:$0x3FAF]  }
0x29: {  	s4 =	sld [smem:$0x3FB1]  }
0x2a: {  	p0 =	seq.s32 s5, $0x0;
	s5 =	sld [smem:$0x3FB2]  }
0x2b: {  	s6 =	sld [smem:$0x3FB3]  }
0x2c: {  	s7 =	sld [smem:$0x3FB4]  }
0x2d: {  	s3 =	simm.s32 $0x108;
	s8 =	sld [smem:$0x3FB5]  }
0x2e: {  	s3 =	simm.s32 @!p0 $0x1082;
	s9 =	sld [smem:$0x3FB6]  }
0x2f: {  	lr =	sadd.s32 s0, s3;
	s0 =	sld [smem:$0x3FAD]  }
0x30: {  	s3 =	sld [smem:$0x3FB0]  }
0x31: {  	[smem:$0x3FB9] =	sst s10  }
0x32: {  	s10 =	sld [smem:$0x3FB7];
	_ =	sdelay $0x3  }
0x33: {  	p0 =	seq.s32 s10, $0x1;
	s10 =	sld [smem:$0x3FB9];
	_ =	sdelay $0x3  }
0x34: {  	[smem:$0x3FB9] =	sst s10  }
0x35: {  	s10 =	sld [smem:$0x3FB8];
	_ =	sdelay $0x3  }
0x36: {  	p1 =	seq.s32 s10, $0x1;
	s10 =	sld [smem:$0x3FB9];
	_ =	sdelay $0x3  }
0x37: {  	[smem:$0x3FB9] =	sst s10  }
0x38: {  	s10 =	sld [smem:$0x3FBA]  }
0x39: {  	_ = 	snop;
	(pc) =	sbr.ind lr, $3  }
0x3a: {  	_ = 	snop  }
0x3b: {  	_ = 	snop  }
0x3c: {  	p2 =	seq.s32 s10, $0x1;
	s10 =	sld [smem:$0x3FB9]  }
0x3d: {  	_ =	shalt  }
0x3e: {  	_ =	shalt  }
0x3f: {  	_ =	shalt  }
0x40: {  	_ =	shalt  }
0x41: {  	_ =	shalt  }
0x42: {  	_ =	shalt  }
0x43: {  	_ =	shalt  }
0x44: {  	_ =	shalt  }
0x45: {  	_ =	shalt  }
0x46: {  	_ =	shalt  }
0x47: {  	_ =	shalt  }
0x48: {  	_ =	shalt  }
0x49: {  	_ =	shalt  }
0x4a: {  	_ =	shalt  }
0x4b: {  	_ =	shalt  }
0x4c: {  	_ =	shalt  }
0x4d: {  	_ =	shalt  }
0x4e: {  	_ =	shalt  }
0x4f: {  	_ =	shalt  }
0x50: {  	_ =	shalt  }
0x51: {  	_ =	shalt  }
0x52: {  	_ =	shalt  }
0x53: {  	_ =	shalt  }
0x54: {  	_ =	shalt  }
0x55: {  	_ =	shalt  }
0x56: {  	_ =	shalt  }
0x57: {  	_ =	shalt  }
0x58: {  	_ =	shalt  }
0x59: {  	_ =	shalt  }
0x5a: {  	_ =	shalt  }
0x5b: {  	_ =	shalt  }
0x5c: {  	_ =	shalt  }
0x5d: {  	_ =	shalt  }
0x5e: {  	_ =	shalt  }
0x5f: {  	_ =	shalt  }
0x60: {  	_ =	shalt  }
0x61: {  	_ =	shalt  }
0x62: {  	_ =	shalt  }
0x63: {  	_ =	shalt  }
0x64: {  	_ =	shalt  }
0x65: {  	_ =	shalt  }
0x66: {  	_ =	shalt  }
0x67: {  	_ =	shalt  }
0x68: {  	_ =	shalt  }
0x69: {  	_ =	shalt  }
0x6a: {  	_ =	shalt  }
0x6b: {  	_ =	shalt  }
0x6c: {  	_ =	shalt  }
0x6d: {  	_ =	shalt  }
0x6e: {  	_ =	shalt  }
0x6f: {  	_ =	shalt  }
0x70: {  	_ =	shalt  }
0x71: {  	_ =	shalt  }
0x72: {  	_ =	shalt  }
0x73: {  	_ =	shalt  }
0x74: {  	_ =	shalt  }
0x75: {  	_ =	shalt  }
0x76: {  	_ =	shalt  }
0x77: {  	_ =	shalt  }
0x78: {  	_ =	shalt  }
0x79: {  	_ =	shalt  }
0x7a: {  	_ =	shalt  }
0x7b: {  	_ =	shalt  }
0x7c: {  	_ =	shalt  }
0x7d: {  	_ =	shalt  }
0x7e: {  	_ =	shalt  }
0x7f: {  	_ =	shalt  }
0x80: {  	_ =	shalt  }
0x81: {  	_ =	shalt  }
0x82: {  	_ =	shalt  }
0x83: {  	_ =	shalt  }
0x84: {  	_ =	shalt  }
0x85: {  	_ =	shalt  }
0x86: {  	_ =	shalt  }
0x87: {  	_ =	shalt  }
.Lfunc_end0:
.L_simem_size_0:
called_computation_lowered:
.L_overlay_start_0:
0x88: {  	s2 =	sld [smem:$0x3FD9]  }
0x89: {  	s3 =	sld [smem:$0x3FFE];
	_ =	sdelay $0x1  }
0x8a: {  	s1 =	srdreg.scid  }
0x8b: {  	s0 =	sand.u32 $0x1, s1  }
0x8c: {  	s17 =	sshll.u32 s0, $0xA;
	s2 =	sadd.s32 s3, s2  }
0x8d: {  	s2 =	sadd.s32 s2, s17  }
0x8e: {  	[smem:$0x3FC5] =	sst s2  }
0x8f: {  	_ = 	snop  }
0x90: {  	s2 =	sld [smem:$0x3FC9]  }
0x91: {  	s18 =	sld [smem:$0x3FC8];
	(tm) =	ssettm $0x1  }
0x92: {  	s4 =	sld [smem:$0x3FFB];
	_ =	sdelay $0x3  }
0x93: {  	_ =	strace s4  }
0x94: {  	s4 =	sld [smem:$0x3FFC];
	_ =	sdelay $0x3  }
0x95: {  	_ =	strace s4  }
0x96: {  	s4 =	sld [smem:$0x3FFD];
	_ =	sdelay $0x3  }
0x97: {  	_ =	strace s4  }
0x98: {  	_ =	strace $0x8FFFFFFF  }
0x99: {  	s19 =	sld [smem:$0x3FDB];
	_ =	sdelay $0x1  }
0x9a: {  	s5 =	simm.s32 $_scs_section_size  }
0x9b: {  	s6 =	simm.s32 $_size__tile_overlayer_lowered;
	s7 =	simm.s32 $_tile_overlayer_lowered  }
0x9c: {  	s22 =	simm.s32 $0x1BFF;
	s21 =	sshll.u32 s7, $0x1;
	s4 =	sadd.s32 s5, s19  }
0x9d: {  	s8 =	simm.s32 $0x0;
	s20 =	sshll.u32 s6, $0x1;
	s6 =	sadd.s32 s21, s4  }
0x9e: {  	[timem:s8], [sflag:s22] =	dma.local [hbm:s6], s20  }
0x9f: {  	_ =	swait.ge [sflag:s22], s20  }
0xa0: {  	s5 =	ssub.s32 $0x0, s20;
	[sflag:s22] =	ssyncset.done $0x0  }
0xa1: {  	[sflag:s22] =	ssyncadd.s32 s5;
	_ =	sdelay $0x1  }
0xa2: {  	s23 =	simm.s32 $0x1B8B  }
0xa3: {  	_ =	swait.ge [sflag:s23], $0x1  }
0xa4: {  	[sflag:s23] =	ssyncset.done $0x0  }
0xa5: {  	s25 =	simm.s32 $0x1B8E;
	s24 =	sld [smem:$0x3FFE];
	[sflag:s23] =	ssyncadd.s32 $0xFFFFFFFF  }
0xa6: {  	s26 =	simm.s32 $execute0_lowered;
	[smem:$0x3FD2] =	sst s25  }
0xa7: {  	s6 =	sshll.u32 s26, $0x1;
	_ =	strace $0x80000046;
	[dreg:$0x1] =	wrdreg $0xFFFFFFFF  }
0xa8: {  	s28 =	simm.s32 $_size_execute0_lowered;
	s4 =	sadd.s32 s4, s6;
	[dreg:$0x0] =	wrdreg $0x0  }
0xa9: {  	s6 =	sshll.u32 s28, $0x1;
	[dreg:$0x2] =	wrdreg s4  }
0xaa: {  	[dreg:$0x3] =	wrdreg s6  }
0xab: {  	[dreg:$0x4] =	wrdreg $0xC0  }
0xac: {  	_ =	task [dreg:s8], $0x5FFFF  }
0xad: {  	[dreg:$0x1] =	wrdreg $0xFFFFFFFF  }
0xae: {  	[dreg:$0x0] =	wrdreg $0x60  }
0xaf: {  	[dreg:$0x2] =	wrdreg s2  }
0xb0: {  	[dreg:$0x3] =	wrdreg s18  }
0xb1: {  	[dreg:$0x4] =	wrdreg s24  }
0xb2: {  	[dreg:$0x5] =	wrdreg $0x9  }
0xb3: {  	_ =	task.clear_ibuf [dreg:s8], $0x6FFFF;
	_ =	strace $0x90000046  }
0xb4: {  	s29 =	simm.s32 $0x9;
	_ =	strace $0x80000048  }
0xb5: {  	_ =	swait.ge [sflag:s29], $0x1  }
0xb6: {  	[sflag:s29] =	ssyncadd.s32 $0xFFFFFFFF  }
0xb7: {  	_ =	strace $0x90000048  }
0xb8: {  	_ =	sfence  }
0xb9: {  	s30 =	sld [smem:$0x0];
	_ =	sdelay $0x2  }
0xba: {  	s31 =	sshll.u32 s1, $0xD;
	s1 =	sshrl.u32 s1, $0x2  }
0xbb: {  	s3 =	sand.u32 $0x4000, s31;
	s1 =	sadd.s32 s1, s30  }
0xbc: {  	s0 =	sor.u32 s3, s0;
	s1 =	sshll.u32 s1, $0x11  }
0xbd: {  	s0 =	sor.u32 s1, s0  }
0xbe: {  	s0 =	sadd.s32 $0x8F2B, s0  }
0xbf: {  	[sflag:s0] =	ssyncadd.remote.s32 $0x1  }
0xc0: {  	_ =	sfence.sel $0xFFFF  }
0xc1: {  	[dreg:$0x0] =	wrdreg $0xFFFFFFFF;
	(pc) =	sbr.abs _section_cstart, $3  }
0xc2: {  	[dreg:$0x1] =	wrdreg $0xFFFFFFFF  }
0xc3: {  	_ =	task.clear_ibuf [dreg:s8], $0x2FFFF;
	_ =	strace $0x9FFFFFFF  }
0xc4: {  	(tm) =	ssettm $0x7FFFFFFF  }
0xc5: {  	_ =	shalt  }
tec
execute0_lowered:
.L_overlay_start_1:
0x0: {  	(tag) =	ssettag $0x1  }
0x1: {  	s1 =	rddreg [dreg:$0x0]  }
0x2: {  	s0 =	rddreg [dreg:$0x1]  }
0x3: {  	s3 =	rddreg [dreg:$0x2]  }
0x4: {  	s2 =	srdreg.scid;
	s4 =	stileid.u32  }
0x5: {  	s24 =	simm.s32 $0x0;
	s12 =	simm.s32 $0x2;
	s13 =	simm.s32 $0x80  }
0x6: {  	s14 =	simm.s32 $0x4080;
	s15 =	simm.s32 $0x4880;
	s16 =	simm.s32 $0x5080  }
0x7: {  	s17 =	simm.s32 $0x5880;
	s18 =	simm.s32 $0x6080;
	s19 =	simm.s32 $0x6880  }
0x8: {  	s20 =	simm.s32 $0x7080;
	s21 =	simm.s32 $0x7880;
	s22 =	simm.s32 $0x1  }
0x9: {  	s23 =	simm.s32 $0x8080;
	s25 =	simm.s32 $0x0;
	s2 =	sand.u32 $0x1, s2  }
0xa: {  	s5 =	sshll.u32 s4, $0x1;
	[smem:$0x7FF] =	sst s24;
	s8 =	sadd.s32 $0x200, s3  }
0xb: {  	v1 =	vlaneseq.u32;
	s9 =	sadd.s32 $0x300, s3;
	s5 =	sor.u32 s2, s5;
	_ =	strace $0x80000047  }
0xc: {  	v0 =	vshrl.u32 v1, $0x3;
	v2 =	vand.u32 $0x7, v1;
	s2 =	ssub.s32 $0x2, s2;
	s6 =	sshll.u32 s5, $0x7;
	s7 =	sshll.u32 s5, $0x6  }
0xd: {  	v63 =	vor.u32 $0x8, v1;
	[tilespmem:$0x1FFD0] =	vst v2;
	v0 =	vmul.u32 $0x8, v0;
	s30 =	sshrl.u32 s2, $0x1;
	s5 =	sor.u32 $0x3000, s6;
	s10 =	sadd.s32 s7, s3  }
0xe: {  	[tilespmem:$0x1FFF0] =	vst v63;
	s2 =	ssub.s32 s2, s30;
	s7 =	sadd.s32 $0x100, s3;
	s31 =	sshrl.u32 s5, $0x3  }
0xf: {  	vm0 =	vmmov $0xffff;
	[tilespmem:$0x1FFE0] =	vst v0;
	s10 =	sadd.s32 $0x2000, s10;
	s11 =	smax.u32 s2, $0x1;
	s6 =	sadd.s32 s0, s31  }
.LBB2_1:
0x10: {  	[tilespmem:s24], [sflag:$0x2] =	stream.linear.gather [hbm4b:s6+s24], $0x80, $0x38;
	[tilespmem:$0x8A80] =	vst v63  }
0x11: {  	_ =	swait.ge [sflag:s12], $0x80  }
0x12: {  	[sflag:s12] =	ssyncset.done $0x0  }
0x13: {  	v0 =	vimm.f32 $0.0e+00;
	v2 =	vimm.f32 $0.0e+00;
	v3 =	vimm.f32 $0.0e+00;
	s26 =	simm.s32 $0x0;
	[sflag:s12] =	ssyncadd.s32 $0xFFFFFF80  }
.LBB2_2:
0x14: {  	s0 =	sshll.u32 s26, $0x4  }
0x15: {  	s2 =	sadd.s32 s5, s0  }
0x16: {  	s2 =	sshll.u32 s2, $0x7  }
0x17: {  	s28 =	simm.s32 $0x0;
	s2 =	sadd.s32 s1, s2  }
0x18: {  	[tilespmem:s13], [sflag:$0x1] =	stream.linear.gather [hbm4b:s2+s28], $0x4000, $0x38;
	[tilespmem:$0x8A80] =	vst v63  }
0x19: {  	[tilespmem:$0x1FB50] =	vst v0;
	v0 =	vld [tilespmem:s0+$0x0];
	_ =	sdelay $0x2  }
0x1a: {  	v1 =	vld [tilespmem:$0x1FFD0];
	_ =	sdelay $0x1  }
0x1b: {  	v4 =	vshll.u32 v0, $0x3  }
0x1c: {  	v0 =	vand.u32 $0x7, v0;
	v4 =	vand.u32 $0xFFFFFFC0, v4  }
0x1d: {  	v0 =	vor.u32 v0, v4  }
0x1e: {  	v4 =	vperm.xlane v0, v1;
	v1 =	vld [tilespmem:$0x1FFE0];
	_ =	sdelay $0x4  }
0x1f: {  	v4 =	vadd.s32 v1, v4  }
0x20: {  	[tilespmem:$0x1FB40] =	vst v2;
	v2 =	vld [tilespmem:$0x1FFF0];
	_ =	sdelay $0x3  }
0x21: {  	[tilespmem:s14], [sflag:$0x1] =	stream.indirect_vreg.gather [hbm4b:s3+s28], $0x80, v4, vm0, $0xb8;
	[tilespmem:$0x8A80] =	vst v63  }
0x22: {  	v0 =	vperm.xlane v0, v2  }
0x23: {  	[tilespmem:s15], [sflag:$0x1] =	stream.indirect_vreg.gather [hbm4b:s7+s28], $0x80, v4, vm0, $0xb8;
	[tilespmem:$0x8A80] =	vst v63  }
0x24: {  	v0 =	vadd.s32 v1, v0  }
0x25: {  	[tilespmem:s16], [sflag:$0x1] =	stream.indirect_vreg.gather [hbm4b:s8+s28], $0x80, v4, vm0, $0xb8;
	[tilespmem:$0x8A80] =	vst v63  }
0x26: {  	_ = 	snop  }
0x27: {  	[tilespmem:s17], [sflag:$0x1] =	stream.indirect_vreg.gather [hbm4b:s9+s28], $0x80, v4, vm0, $0xb8;
	[tilespmem:$0x8A80] =	vst v63  }
0x28: {  	_ = 	snop  }
0x29: {  	[tilespmem:s18], [sflag:$0x1] =	stream.indirect_vreg.gather [hbm4b:s3+s28], $0x80, v0, vm0, $0xb8;
	[tilespmem:$0x8A80] =	vst v63  }
0x2a: {  	_ = 	snop  }
0x2b: {  	[tilespmem:s19], [sflag:$0x1] =	stream.indirect_vreg.gather [hbm4b:s7+s28], $0x80, v0, vm0, $0xb8;
	[tilespmem:$0x8A80] =	vst v63  }
0x2c: {  	_ = 	snop  }
0x2d: {  	[tilespmem:s20], [sflag:$0x1] =	stream.indirect_vreg.gather [hbm4b:s8+s28], $0x80, v0, vm0, $0xb8;
	[tilespmem:$0x8A80] =	vst v63  }
0x2e: {  	[tilespmem:$0x1FB30] =	vst v3  }
0x2f: {  	[tilespmem:s21], [sflag:$0x1] =	stream.indirect_vreg.gather [hbm4b:s9+s28], $0x80, v0, vm0, $0xb8;
	[tilespmem:$0x8A80] =	vst v63  }
0x30: {  	_ =	swait.ge [sflag:s22], $0x4000  }
0x31: {  	[sflag:s22] =	ssyncset.done $0x0  }
0x32: {  	s4 =	sand.u32 $0x7, s28;
	[sflag:s22] =	ssyncadd.s32 $0xFFFFC000  }
0x33: {  	s2 =	sshll.u32 s4, $0x7;
	_ =	swait.ge [sflag:s22], $0x4000  }
0x34: {  	s2 =	sadd.s32 $0x0, s2;
	[sflag:s22] =	ssyncset.done $0x0  }
0x35: {  	s29 =	sor.u32 $0x1C00, s2;
	[sflag:s22] =	ssyncadd.s32 $0xFFFFC000  }
0x36: {  	v0 =	vld [tilespmem:s29+$0x80]  }
0x37: {  	v1 =	vld [tilespmem:s29+$0x4080];
	s29 =	sor.u32 $0x1C10, s2  }
0x38: {  	v2 =	vld [tilespmem:s29+$0x80]  }
0x39: {  	v3 =	vld [tilespmem:s29+$0x4080];
	s29 =	sor.u32 $0x1C20, s2  }
0x3a: {  	v4 =	vld [tilespmem:s29+$0x80]  }
0x3b: {  	v5 =	vld [tilespmem:s29+$0x4080];
	s29 =	sor.u32 $0x1C30, s2  }
0x3c: {  	v6 =	vld [tilespmem:s29+$0x80]  }
0x3d: {  	v7 =	vld [tilespmem:s29+$0x4080];
	s29 =	sor.u32 $0x1C40, s2  }
0x3e: {  	v9 =	vld [tilespmem:s29+$0x80]  }
0x3f: {  	v10 =	vld [tilespmem:s29+$0x4080];
	s29 =	sor.u32 $0x1C50, s2  }
0x40: {  	v11 =	vld [tilespmem:s29+$0x80]  }
0x41: {  	s30 =	simm.s32 $0x0;
	v21 =	vld [tilespmem:s29+$0x4080];
	s29 =	sor.u32 $0x1C60, s2  }
0x42: {  	s24 =	sand.u32 $0x2000, s30;
	s28 =	sand.u32 $0x380, s28;
	v23 =	vld [tilespmem:s29+$0x80]  }
0x43: {  	v31 =	vld [tilespmem:s29+$0x4080];
	s29 =	sor.u32 $0x1C70, s2;
	s2 =	sor.u32 s28, s24  }
0x44: {  	v8 =	vld [tilespmem:s2+$0x5880];
	_ =	sdelay $0x4  }
0x45: {  	[tilespmem:$0x1FB60] =	vst v8;
	v8 =	vld [tilespmem:s2+$0x1890];
	_ =	sdelay $0x4  }
0x46: {  	[tilespmem:$0x1FB70] =	vst v8;
	v8 =	vld [tilespmem:s2+$0x5890];
	_ =	sdelay $0x4  }
0x47: {  	[tilespmem:$0x1FB80] =	vst v8;
	v8 =	vld [tilespmem:s2+$0x18A0];
	_ =	sdelay $0x4  }
0x48: {  	[tilespmem:$0x1FB90] =	vst v8;
	v8 =	vld [tilespmem:s2+$0x58A0];
	_ =	sdelay $0x4  }
0x49: {  	[tilespmem:$0x1FBA0] =	vst v8;
	v8 =	vld [tilespmem:s2+$0x18B0];
	_ =	sdelay $0x4  }
0x4a: {  	[tilespmem:$0x1FBB0] =	vst v8;
	v8 =	vld [tilespmem:s2+$0x58B0];
	_ =	sdelay $0x4  }
0x4b: {  	[tilespmem:$0x1FBC0] =	vst v8;
	v8 =	vld [tilespmem:s2+$0x18C0];
	_ =	sdelay $0x4  }
0x4c: {  	[tilespmem:$0x1FBD0] =	vst v8;
	v8 =	vld [tilespmem:s2+$0x58C0];
	_ =	sdelay $0x4  }
0x4d: {  	[tilespmem:$0x1FBE0] =	vst v8;
	v8 =	vld [tilespmem:s2+$0x18D0];
	_ =	sdelay $0x4  }
0x4e: {  	[tilespmem:$0x1FBF0] =	vst v8;
	v8 =	vld [tilespmem:s2+$0x58D0];
	_ =	sdelay $0x4  }
0x4f: {  	[tilespmem:$0x1FC00] =	vst v8;
	v8 =	vld [tilespmem:s2+$0x18E0];
	_ =	sdelay $0x1  }
0x50: {  	v33 =	vld [tilespmem:s29+$0x80]  }
0x51: {  	v35 =	vld [tilespmem:s29+$0x4080]  }
0x52: {  	v37 =	vld [tilespmem:s2+$0x1880]  }
0x53: {  	[tilespmem:$0x1FC10] =	vst v8;
	v8 =	vld [tilespmem:s2+$0x58E0]  }
0x54: {  	v41 =	vld [tilespmem:s2+$0x5490]  }
0x55: {  	v43 =	vld [tilespmem:s2+$0x54A0]  }
0x56: {  	v44 =	vld [tilespmem:s2+$0x14B0]  }
0x57: {  	v45 =	vld [tilespmem:s2+$0x54B0]  }
0x58: {  	[tilespmem:$0x1FC20] =	vst v8;
	v8 =	vld [tilespmem:s2+$0x18F0]  }
0x59: {  	v46 =	vld [tilespmem:s2+$0x14C0]  }
0x5a: {  	v47 =	vld [tilespmem:s2+$0x54C0]  }
0x5b: {  	v48 =	vld [tilespmem:s2+$0x14D0]  }
0x5c: {  	v49 =	vld [tilespmem:s2+$0x54D0]  }
0x5d: {  	[tilespmem:$0x1FC30] =	vst v8;
	v8 =	vld [tilespmem:s2+$0x58F0]  }
0x5e: {  	v50 =	vld [tilespmem:s2+$0x14E0]  }
0x5f: {  	v51 =	vld [tilespmem:s2+$0x54E0]  }
0x60: {  	v52 =	vld [tilespmem:s2+$0x14F0]  }
0x61: {  	v53 =	vld [tilespmem:s2+$0x54F0]  }
0x62: {  	[tilespmem:$0x1FC40] =	vst v8;
	v8 =	vld [tilespmem:s2+$0x1480]  }
0x63: {  	v54 =	vld [tilespmem:s2+$0x1080]  }
0x64: {  	v55 =	vld [tilespmem:s2+$0x5080]  }
0x65: {  	v56 =	vld [tilespmem:s2+$0x1090]  }
0x66: {  	v57 =	vld [tilespmem:s2+$0x5090]  }
0x67: {  	[tilespmem:$0x1FC50] =	vst v8;
	v8 =	vld [tilespmem:s2+$0x5480]  }
0x68: {  	v58 =	vld [tilespmem:s2+$0x10A0]  }
0x69: {  	v59 =	vld [tilespmem:s2+$0x50A0]  }
0x6a: {  	v60 =	vld [tilespmem:s2+$0x10B0]  }
0x6b: {  	v61 =	vld [tilespmem:s2+$0x50B0]  }
0x6c: {  	[tilespmem:$0x1FC60] =	vst v8;
	v8 =	vld [tilespmem:s2+$0x1490]  }
0x6d: {  	v62 =	vld [tilespmem:s2+$0x10C0]  }
0x6e: {  	v63 =	vld [tilespmem:s2+$0x50C0]  }
0x6f: {  	v32 =	vld [tilespmem:s2+$0x10D0]  }
0x70: {  	v28 =	vld [tilespmem:s2+$0x50D0]  }
0x71: {  	[tilespmem:$0x1FC70] =	vst v8;
	v8 =	vld [tilespmem:s2+$0x14A0]  }
0x72: {  	v30 =	vld [tilespmem:s2+$0x10E0]  }
0x73: {  	v25 =	vld [tilespmem:s2+$0x50E0]  }
0x74: {  	v26 =	vld [tilespmem:s2+$0x10F0]  }
0x75: {  	v17 =	vld [tilespmem:s2+$0x50F0]  }
0x76: {  	[tilespmem:$0x1FC80] =	vst v8;
	v8 =	vld [tilespmem:s2+$0xCF0]  }
0x77: {  	v24 =	vld [tilespmem:s2+$0xC80]  }
0x78: {  	v20 =	vld [tilespmem:s2+$0x4C80]  }
0x79: {  	v19 =	vld [tilespmem:s2+$0xC90]  }
0x7a: {  	v15 =	vld [tilespmem:s2+$0x4C90]  }
0x7b: {  	[tilespmem:$0x1FC90] =	vst v8;
	v8 =	vld [tilespmem:s2+$0x880]  }
0x7c: {  	v22 =	vld [tilespmem:s2+$0xCA0]  }
0x7d: {  	v16 =	vld [tilespmem:s2+$0x4CA0]  }
0x7e: {  	v14 =	vld [tilespmem:s2+$0xCB0]  }
0x7f: {  	v13 =	vld [tilespmem:s2+$0x4CB0]  }
0x80: {  	[tilespmem:$0x1FCA0] =	vst v8;
	v8 =	vld [tilespmem:s2+$0x4880]  }
0x81: {  	v27 =	vld [tilespmem:s2+$0xCC0]  }
0x82: {  	v18 =	vld [tilespmem:s2+$0x4CC0]  }
0x83: {  	v34 =	vld [tilespmem:s2+$0xCD0]  }
0x84: {  	v0 =	vsub.f32 v0, v1;
	v1 =	vsub.f32 v2, v3;
	v3 =	vld [tilespmem:$0x1FB70]  }
0x85: {  	[tilespmem:$0x1FCB0] =	vst v8;
	v8 =	vsub.f32 v4, v5;
	v4 =	vld [tilespmem:$0x1FB80]  }
0x86: {  	v29 =	vld [tilespmem:s2+$0x4CD0]  }
0x87: {  	v38 =	vld [tilespmem:s2+$0xCE0]  }
0x88: {  	v36 =	vld [tilespmem:s2+$0x4CE0]  }
0x89: {  	v5 =	vsub.f32 v6, v7;
	v6 =	vld [tilespmem:$0x1FBA0]  }
0x8a: {  	v3 =	vsub.f32 v3, v4;
	v4 =	vld [tilespmem:$0x1FB90]  }
0x8b: {  	v2 =	vld [tilespmem:s2+$0x890]  }
0x8c: {  	v40 =	vld [tilespmem:s2+$0x4CF0]  }
0x8d: {  	v39 =	vld [tilespmem:s2+$0x4890]  }
0x8e: {  	v7 =	vld [tilespmem:$0x1FBC0]  }
0x8f: {  	v6 =	vsub.f32 v4, v6;
	v4 =	vld [tilespmem:$0x1FBB0]  }
0x90: {  	[tilespmem:$0x1FCC0] =	vst v2;
	v2 =	vld [tilespmem:s2+$0x8A0];
	v44 =	vsub.f32 v44, v45  }
0x91: {  	v45 =	vld [tilespmem:s2+$0x48D0];
	v46 =	vsub.f32 v46, v47;
	v47 =	vsub.f32 v50, v51  }
0x92: {  	v50 =	vsub.f32 v52, v53;
	v52 =	vsub.f32 v54, v55;
	v54 =	vld [tilespmem:s2+$0x8F0]  }
0x93: {  	v12 =	vsub.f32 v9, v10;
	v10 =	vld [tilespmem:$0x1FBE0]  }
0x94: {  	v7 =	vsub.f32 v4, v7;
	v4 =	vld [tilespmem:$0x1FBD0]  }
0x95: {  	v28 =	vsub.f32 v32, v28;
	v32 =	vld [tilespmem:s2+$0x4080]  }
0x96: {  	v17 =	vsub.f32 v26, v17;
	v26 =	vld [tilespmem:s2+$0x80]  }
0x97: {  	v25 =	vsub.f32 v30, v25;
	v30 =	vld [tilespmem:s2+$0x480]  }
0x98: {  	v9 =	vsub.f32 v11, v21;
	v11 =	vld [tilespmem:$0x1FC00]  }
0x99: {  	v10 =	vsub.f32 v4, v10;
	v4 =	vld [tilespmem:$0x1FBF0]  }
0x9a: {  	v16 =	vsub.f32 v22, v16;
	v22 =	vld [tilespmem:s2+$0x4480]  }
0x9b: {  	v53 =	vsub.f32 v56, v57;
	v56 =	vsub.f32 v60, v61;
	v61 =	vld [tilespmem:s2+$0x90]  }
0x9c: {  	v20 =	vsub.f32 v24, v20;
	v24 =	vsub.f32 v19, v15;
	v15 =	vmul.f32 v9, v9;
	v9 =	vld [tilespmem:s2+$0x490]  }
0x9d: {  	v21 =	vld [tilespmem:$0x1FC20]  }
0x9e: {  	v55 =	vsub.f32 v58, v59;
	v11 =	vsub.f32 v4, v11;
	v4 =	vld [tilespmem:$0x1FC10]  }
0x9f: {  	v58 =	vsub.f32 v62, v63;
	v62 =	vld [tilespmem:s2+$0x4490];
	[tilespmem:$0x1FCD0] =	vst v2;
	v2 =	vsub.f32 v23, v31  }
0xa0: {  	v60 =	vmul.f32 v1, v1;
	v1 =	vsub.f32 v38, v36;
	v38 =	vld [tilespmem:s2+$0xA0]  }
0xa1: {  	v31 =	vld [tilespmem:s2+$0x48B0];
	[tilespmem:$0x1FD00] =	vst v2;
	v2 =	vsub.f32 v33, v35  }
0xa2: {  	v22 =	vsub.f32 v30, v22;
	v30 =	vld [tilespmem:s2+$0x4B0]  }
0xa3: {  	[tilespmem:$0x1FD10] =	vst v2;
	v2 =	vld [tilespmem:$0x1FB60];
	v4 =	vsub.f32 v4, v21  }
0xa4: {  	v21 =	vld [tilespmem:$0x1FC40]  }
0xa5: {  	[tilespmem:$0x1FCE0] =	vst v4;
	v4 =	vld [tilespmem:$0x1FC30]  }
0xa6: {  	v9 =	vsub.f32 v9, v62;
	v62 =	vld [tilespmem:s2+$0x44B0]  }
0xa7: {  	v63 =	vld [tilespmem:$0x1FCD0]  }
0xa8: {  	v2 =	vsub.f32 v37, v2;
	v37 =	vld [tilespmem:s2+$0x8B0]  }
0xa9: {  	v35 =	vld [tilespmem:s2+$0x48A0]  }
0xaa: {  	v33 =	vld [tilespmem:s2+$0x8C0];
	v4 =	vsub.f32 v4, v21  }
0xab: {  	v23 =	vld [tilespmem:$0x1FC60]  }
0xac: {  	[tilespmem:$0x1FCF0] =	vst v4;
	v4 =	vld [tilespmem:$0x1FC50]  }
0xad: {  	v31 =	vsub.f32 v37, v31;
	v37 =	vld [tilespmem:s2+$0x44A0]  }
0xae: {  	v27 =	vsub.f32 v27, v18;
	v18 =	vld [tilespmem:$0x1FCA0]  }
0xaf: {  	v19 =	vld [tilespmem:$0x1FCB0]  }
0xb0: {  	v42 =	vld [tilespmem:$0x1FC80]  }
0xb1: {  	v4 =	vsub.f32 v4, v23;
	v23 =	vld [tilespmem:$0x1FC70]  }
0xb2: {  	v13 =	vsub.f32 v14, v13;
	v14 =	vmul.f32 v12, v12;
	v12 =	vmul.f32 v2, v2;
	v2 =	vld [tilespmem:$0x1FC90]  }
0xb3: {  	v59 =	vmul.f32 v0, v0;
	v0 =	vmul.f32 v5, v5;
	v5 =	vsub.f32 v34, v29;
	v29 =	vld [tilespmem:s2+$0x4090]  }
0xb4: {  	v26 =	vsub.f32 v26, v32;
	v36 =	vsub.f32 v18, v19;
	v18 =	vmul.f32 v10, v10;
	v10 =	vld [tilespmem:$0x1FCC0]  }
0xb5: {  	v49 =	vsub.f32 v48, v49;
	v20 =	vmul.f32 v20, v20;
	v24 =	vmul.f32 v24, v24;
	v21 =	vld [tilespmem:s2+$0x48C0]  }
0xb6: {  	v26 =	vmul.f32 v26, v26;
	v22 =	vmul.f32 v22, v22;
	v41 =	vsub.f32 v23, v41;
	v23 =	vld [tilespmem:s2+$0x8D0]  }
0xb7: {  	v16 =	vmul.f32 v16, v16;
	v30 =	vsub.f32 v30, v62;
	v2 =	vsub.f32 v2, v40;
	v40 =	vld [tilespmem:s2+$0x4A0]  }
0xb8: {  	v9 =	vmul.f32 v9, v9;
	v22 =	vadd.f32 v22, v26;
	v19 =	vmul.f32 v11, v11;
	v11 =	vld [tilespmem:s2+$0x40A0]  }
0xb9: {  	v57 =	vld [tilespmem:s2+$0x48F0];
	v35 =	vsub.f32 v63, v35;
	v30 =	vmul.f32 v30, v30;
	v29 =	vsub.f32 v61, v29  }
0xba: {  	v43 =	vsub.f32 v42, v43;
	v63 =	vmul.f32 v36, v36;
	v21 =	vsub.f32 v33, v21;
	v33 =	vld [tilespmem:s2+$0xB0]  }
0xbb: {  	v29 =	vmul.f32 v29, v29;
	v10 =	vsub.f32 v10, v39;
	v23 =	vsub.f32 v23, v45;
	v45 =	vld [tilespmem:s2+$0x40B0]  }
0xbc: {  	v42 =	vmul.f32 v44, v44;
	v37 =	vsub.f32 v40, v37;
	v22 =	vadd.f32 v63, v22  }
0xbd: {  	v9 =	vadd.f32 v9, v29;
	v10 =	vmul.f32 v10, v10;
	v11 =	vsub.f32 v38, v11  }
0xbe: {  	v48 =	vld [tilespmem:s2+$0x8E0];
	v54 =	vsub.f32 v54, v57;
	v44 =	vmul.f32 v52, v52;
	v57 =	vmul.f32 v37, v37  }
0xbf: {  	v51 =	vld [tilespmem:s2+$0x48E0];
	v20 =	vadd.f32 v20, v22;
	v9 =	vadd.f32 v10, v9;
	v11 =	vmul.f32 v11, v11  }
0xc0: {  	v26 =	vld [tilespmem:s2+$0x4C0];
	v10 =	vmul.f32 v35, v35;
	v39 =	vmul.f32 v41, v41;
	v29 =	vsub.f32 v33, v45  }
0xc1: {  	v62 =	vld [tilespmem:s2+$0xD0];
	v11 =	vadd.f32 v57, v11;
	v41 =	vmul.f32 v43, v43;
	v43 =	vmul.f32 v46, v46  }
0xc2: {  	v52 =	vld [tilespmem:s2+$0xC0];
	v9 =	vadd.f32 v24, v9;
	v46 =	vmul.f32 v53, v53;
	v29 =	vmul.f32 v29, v29  }
0xc3: {  	v61 =	vld [tilespmem:s2+$0x44C0];
	v20 =	vadd.f32 v44, v20;
	v10 =	vadd.f32 v10, v11;
	v4 =	vmul.f32 v4, v4  }
0xc4: {  	v63 =	vld [tilespmem:s2+$0x40D0];
	v11 =	vmul.f32 v31, v31;
	v9 =	vadd.f32 v46, v9;
	v22 =	vadd.f32 v30, v29  }
0xc5: {  	v13 =	vmul.f32 v13, v13;
	v24 =	vld [tilespmem:s2+$0x44D0];
	v10 =	vadd.f32 v16, v10;
	v4 =	vadd.f32 v4, v20  }
0xc6: {  	v3 =	vmul.f32 v3, v3;
	v31 =	vld [tilespmem:s2+$0x40E0];
	v9 =	vadd.f32 v39, v9;
	v11 =	vadd.f32 v11, v22  }
0xc7: {  	v4 =	vadd.f32 v12, v4;
	v12 =	vmul.f32 v28, v28;
	v28 =	vld [tilespmem:s2+$0x44F0];
	v30 =	vmul.f32 v55, v55  }
0xc8: {  	v3 =	vadd.f32 v3, v9;
	v9 =	vld [tilespmem:s2+$0x40F0];
	v11 =	vadd.f32 v13, v11;
	v13 =	vmul.f32 v56, v56  }
0xc9: {  	v10 =	vadd.f32 v30, v10;
	v30 =	vld [tilespmem:s2+$0xF0]  }
0xca: {  	v11 =	vadd.f32 v13, v11;
	v13 =	vld [tilespmem:s2+$0x4F0]  }
0xcb: {  	v16 =	vld [tilespmem:s2+$0x4E0]  }
0xcc: {  	v6 =	vmul.f32 v6, v6;
	v45 =	vld [tilespmem:s2+$0x4D0];
	v10 =	vadd.f32 v41, v10  }
0xcd: {  	v29 =	vld [tilespmem:s2+$0xE0]  }
0xce: {  	v36 =	vsub.f32 v48, v51;
	v53 =	vld [tilespmem:s2+$0x40C0];
	v6 =	vadd.f32 v6, v10  }
0xcf: {  	v8 =	vmul.f32 v8, v8;
	v22 =	vld [tilespmem:s2+$0x44E0];
	v9 =	vsub.f32 v30, v9;
	v13 =	vsub.f32 v13, v28  }
0xd0: {  	v2 =	vmul.f32 v2, v2;
	v26 =	vsub.f32 v26, v61;
	v51 =	vsub.f32 v62, v63  }
0xd1: {  	v6 =	vadd.f32 v8, v6;
	v8 =	vmul.f32 v9, v9;
	v9 =	vmul.f32 v13, v13  }
0xd2: {  	v7 =	vmul.f32 v7, v7;
	v24 =	vsub.f32 v45, v24;
	v29 =	vsub.f32 v29, v31  }
0xd3: {  	v10 =	vsub.f32 v52, v53;
	v8 =	vadd.f32 v9, v8;
	v9 =	vmul.f32 v54, v54  }
0xd4: {  	v16 =	vsub.f32 v16, v22;
	v22 =	vmul.f32 v24, v24;
	v11 =	vadd.f32 v42, v11  }
0xd5: {  	v24 =	vmul.f32 v29, v29;
	v10 =	vmul.f32 v10, v10;
	v8 =	vadd.f32 v9, v8  }
0xd6: {  	v16 =	vmul.f32 v16, v16;
	v7 =	vadd.f32 v7, v11;
	v11 =	vmul.f32 v26, v26  }
0xd7: {  	v26 =	vmul.f32 v51, v51;
	v2 =	vadd.f32 v2, v8;
	v8 =	vmul.f32 v17, v17  }
0xd8: {  	v0 =	vadd.f32 v0, v7;
	v7 =	vadd.f32 v11, v10;
	v11 =	vmul.f32 v36, v36  }
0xd9: {  	v13 =	vadd.f32 v16, v24;
	v2 =	vadd.f32 v8, v2;
	v8 =	vmul.f32 v50, v50  }
0xda: {  	v1 =	vmul.f32 v1, v1;
	v21 =	vmul.f32 v21, v21;
	v10 =	vadd.f32 v22, v26  }
0xdb: {  	v23 =	vmul.f32 v23, v23;
	v11 =	vadd.f32 v11, v13;
	v2 =	vadd.f32 v8, v2;
	v8 =	vld [tilespmem:$0x1FCF0]  }
0xdc: {  	v27 =	vmul.f32 v27, v27;
	v5 =	vmul.f32 v5, v5;
	v7 =	vadd.f32 v21, v7  }
0xdd: {  	v10 =	vadd.f32 v23, v10;
	v9 =	vmul.f32 v25, v25;
	v1 =	vadd.f32 v1, v11  }
0xde: {  	v20 =	vmul.f32 v49, v49;
	v49 =	vmul.f32 v58, v58;
	v7 =	vadd.f32 v27, v7  }
0xdf: {  	v5 =	vadd.f32 v5, v10;
	v10 =	vmul.f32 v47, v47;
	v1 =	vadd.f32 v9, v1  }
0xe0: {  	v9 =	vld [tilespmem:$0x1FCE0];
	v8 =	vmul.f32 v8, v8  }
0xe1: {  	v7 =	vadd.f32 v49, v7;
	v1 =	vadd.f32 v10, v1;
	v10 =	vld [tilespmem:$0x1FD00]  }
0xe2: {  	v5 =	vadd.f32 v12, v5;
	v2 =	vadd.f32 v8, v2;
	v8 =	vld [tilespmem:$0x1FD10];
	_ =	sdelay $0x1  }
0xe3: {  	v7 =	vadd.f32 v43, v7;
	v5 =	vadd.f32 v20, v5  }
0xe4: {  	v4 =	vadd.f32 v59, v4;
	v3 =	vadd.f32 v60, v3;
	v9 =	vmul.f32 v9, v9  }
0xe5: {  	v7 =	vadd.f32 v18, v7;
	v5 =	vadd.f32 v19, v5  }
0xe6: {  	v10 =	vmul.f32 v10, v10;
	v1 =	vadd.f32 v9, v1;
	v8 =	vmul.f32 v8, v8  }
0xe7: {  	v7 =	vadd.f32 v14, v7;
	v5 =	vadd.f32 v15, v5  }
0xe8: {  	v1 =	vadd.f32 v10, v1;
	v2 =	vadd.f32 v8, v2  }
0xe9: {  	v3 =	vadd.f32 v3, v4;
	v0 =	vadd.f32 v0, v6  }
0xea: {  	v4 =	vadd.f32 v5, v7;
	v1 =	vadd.f32 v2, v1;
	_ =	sdelay $0x1  }
0xeb: {  	s29 =	simm.s32 $0x1;
	v0 =	vadd.f32 v0, v3;
	v1 =	vadd.f32 v1, v4  }
0xec: {  	s4 =	sand.u32 $0x7, s29  }
0xed: {  	s2 =	sshll.u32 s4, $0x7;
	v0 =	vadd.f32 v1, v0  }
0xee: {  	s28 =	simm.s32 $0x8080;
	v1 =	vld [tilespmem:s0+$0x0];
	s0 =	sadd.s32 $0x400, s2  }
0xef: {  	s24 =	sor.u32 $0x1C10, s0;
	[tilespmem:s28+$0x0] =	vst v0  }
0xf0: {  	v5 =	vld [tilespmem:s24+$0x80]  }
0xf1: {  	v7 =	vld [tilespmem:s24+$0x4080];
	s24 =	sor.u32 $0x1C30, s0  }
0xf2: {  	s2 =	sor.u32 $0x1C00, s0;
	v0 =	vld [tilespmem:s24+$0x4080]  }
0xf3: {  	v2 =	vld [tilespmem:s2+$0x80]  }
0xf4: {  	s4 =	sor.u32 $0x1C20, s0;
	v4 =	vld [tilespmem:s2+$0x4080]  }
0xf5: {  	v8 =	vld [tilespmem:s4+$0x80]  }
0xf6: {  	v59 =	vld [tilespmem:s4+$0x4080];
	s4 =	sor.u32 $0x1C40, s0  }
0xf7: {  	[tilespmem:$0x1FD30] =	vst v0;
	v0 =	vld [tilespmem:s4+$0x80];
	_ =	sdelay $0x1  }
0xf8: {  	v2 =	vsub.f32 v2, v4;
	_ =	sdelay $0x1  }
0xf9: {  	[tilespmem:$0x1FEF0] =	vst v2  }
0xfa: {  	v2 =	vsub.f32 v5, v7;
	[tilespmem:$0x1FD40] =	vst v0;
	v0 =	vld [tilespmem:s4+$0x4080];
	_ =	sdelay $0x1  }
0xfb: {  	[tilespmem:$0x1FF00] =	vst v2;
	v2 =	vsub.f32 v8, v59  }
0xfc: {  	v63 =	vld [tilespmem:s24+$0x80]  }
0xfd: {  	s24 =	sor.u32 $0x1C50, s0;
	[tilespmem:$0x1FF10] =	vst v2;
	v2 =	vld [tilespmem:$0x1FD30]  }
0xfe: {  	[tilespmem:$0x1FD50] =	vst v0;
	v0 =	vld [tilespmem:s24+$0x80]  }
0xff: {  	s4 =	sor.u32 $0x1C60, s0;
	s0 =	sor.u32 $0x1C70, s0  }
0x100: {  	[tilespmem:$0x1FD20] =	vst v1;
	v1 =	vld [tilespmem:s0+$0x80]  }
0x101: {  	v9 =	vld [tilespmem:s0+$0x4080]  }
0x102: {  	s31 =	simm.s32 $0x400;
	s30 =	simm.s32 $0x80;
	v2 =	vsub.f32 v63, v2;
	v4 =	vld [tilespmem:$0x1FD50]  }
0x103: {  	s30 =	sand.u32 $0x380, s30;
	[tilespmem:$0x1FD60] =	vst v0;
	v0 =	vld [tilespmem:s24+$0x4080];
	s24 =	sand.u32 $0x2000, s31  }
0x104: {  	[tilespmem:$0x1FF20] =	vst v2;
	v2 =	vld [tilespmem:$0x1FD40];
	s30 =	sor.u32 s30, s24  }
0x105: {  	[tilespmem:$0x1FDA0] =	vst v1;
	v1 =	vld [tilespmem:s30+$0x1880]  }
0x106: {  	v3 =	vld [tilespmem:s30+$0x18F0]  }
0x107: {  	v11 =	vld [tilespmem:s30+$0x58F0]  }
0x108: {  	v6 =	vld [tilespmem:s30+$0x1490]  }
0x109: {  	v27 =	vld [tilespmem:s30+$0x14A0]  }
0x10a: {  	v14 =	vld [tilespmem:s30+$0x54A0]  }
0x10b: {  	v18 =	vld [tilespmem:s30+$0x14B0]  }
0x10c: {  	v13 =	vld [tilespmem:s30+$0x54B0]  }
0x10d: {  	v41 =	vld [tilespmem:s30+$0x14C0]  }
0x10e: {  	v42 =	vld [tilespmem:s30+$0x54C0]  }
0x10f: {  	v43 =	vld [tilespmem:s30+$0x14D0]  }
0x110: {  	v44 =	vld [tilespmem:s30+$0x54D0]  }
0x111: {  	v45 =	vld [tilespmem:s30+$0x14E0]  }
0x112: {  	v46 =	vld [tilespmem:s30+$0x54E0]  }
0x113: {  	v47 =	vld [tilespmem:s30+$0x14F0]  }
0x114: {  	v48 =	vld [tilespmem:s30+$0x54F0]  }
0x115: {  	v49 =	vld [tilespmem:s30+$0x1080]  }
0x116: {  	v50 =	vld [tilespmem:s30+$0x5080]  }
0x117: {  	v51 =	vld [tilespmem:s30+$0x1090]  }
0x118: {  	v52 =	vld [tilespmem:s30+$0x5090]  }
0x119: {  	v53 =	vld [tilespmem:s30+$0x10A0]  }
0x11a: {  	v54 =	vld [tilespmem:s30+$0x50A0]  }
0x11b: {  	v55 =	vld [tilespmem:s30+$0x10B0]  }
0x11c: {  	v56 =	vld [tilespmem:s30+$0x50B0]  }
0x11d: {  	v10 =	vld [tilespmem:s30+$0x10C0];
	v2 =	vsub.f32 v2, v4  }
0x11e: {  	v58 =	vld [tilespmem:s30+$0x50C0]  }
0x11f: {  	v57 =	vld [tilespmem:s30+$0x10D0];
	[tilespmem:$0x1FF30] =	vst v2  }
0x120: {  	v2 =	vld [tilespmem:$0x1FD60];
	[tilespmem:$0x1FD70] =	vst v0  }
0x121: {  	v4 =	vld [tilespmem:$0x1FD70]  }
0x122: {  	[tilespmem:$0x1FDB0] =	vst v1;
	v1 =	vld [tilespmem:s30+$0x5880]  }
0x123: {  	v0 =	vld [tilespmem:s4+$0x80]  }
0x124: {  	v60 =	vld [tilespmem:s30+$0x50D0]  }
0x125: {  	v61 =	vld [tilespmem:s30+$0x10E0]  }
0x126: {  	v62 =	vld [tilespmem:s30+$0x50E0]  }
0x127: {  	v2 =	vsub.f32 v2, v4;
	[tilespmem:$0x1FDC0] =	vst v1;
	v1 =	vld [tilespmem:s30+$0x1890]  }
0x128: {  	[tilespmem:$0x1FD80] =	vst v0;
	v0 =	vld [tilespmem:s4+$0x4080]  }
0x129: {  	[tilespmem:$0x1FF40] =	vst v2;
	v2 =	vld [tilespmem:$0x1FD80]  }
0x12a: {  	v12 =	vld [tilespmem:s30+$0x10F0]  }
0x12b: {  	v17 =	vld [tilespmem:s30+$0x50F0]  }
0x12c: {  	[tilespmem:$0x1FDD0] =	vst v1;
	v1 =	vld [tilespmem:s30+$0x5890]  }
0x12d: {  	v40 =	vld [tilespmem:s30+$0xC80]  }
0x12e: {  	v39 =	vld [tilespmem:s30+$0x4C80];
	v0 =	vsub.f32 v2, v0  }
0x12f: {  	v38 =	vld [tilespmem:s30+$0xC90]  }
0x130: {  	[tilespmem:$0x1FD90] =	vst v0;
	v0 =	vld [tilespmem:$0x1FDA0]  }
0x131: {  	[tilespmem:$0x1FDE0] =	vst v1;
	v1 =	vld [tilespmem:s30+$0x18A0]  }
0x132: {  	v36 =	vld [tilespmem:s30+$0x4C90]  }
0x133: {  	v34 =	vld [tilespmem:s30+$0xCB0]  }
0x134: {  	v2 =	vld [tilespmem:$0x1FDC0]  }
0x135: {  	v59 =	vsub.f32 v0, v9;
	v0 =	vld [tilespmem:$0x1FDB0]  }
0x136: {  	[tilespmem:$0x1FDF0] =	vst v1;
	v1 =	vld [tilespmem:s30+$0x58A0]  }
0x137: {  	v32 =	vld [tilespmem:s30+$0x4CB0]  }
0x138: {  	v33 =	vld [tilespmem:s30+$0xCC0]  }
0x139: {  	v29 =	vld [tilespmem:s30+$0x4CC0]  }
0x13a: {  	v30 =	vld [tilespmem:s30+$0xCD0]  }
0x13b: {  	v0 =	vsub.f32 v0, v2;
	[tilespmem:$0x1FE00] =	vst v1;
	v1 =	vld [tilespmem:s30+$0x18B0]  }
0x13c: {  	v2 =	vld [tilespmem:$0x1FDE0]  }
0x13d: {  	[tilespmem:$0x1FF50] =	vst v0;
	v0 =	vld [tilespmem:$0x1FDD0]  }
0x13e: {  	v26 =	vld [tilespmem:s30+$0x4CD0]  }
0x13f: {  	v31 =	vld [tilespmem:s30+$0xCE0]  }
0x140: {  	[tilespmem:$0x1FE10] =	vst v1;
	v1 =	vld [tilespmem:s30+$0x58B0]  }
0x141: {  	v20 =	vld [tilespmem:s30+$0x4CE0]  }
0x142: {  	v25 =	vld [tilespmem:s30+$0xCF0];
	v0 =	vsub.f32 v0, v2  }
0x143: {  	v5 =	vld [tilespmem:$0x1FE00]  }
0x144: {  	[tilespmem:$0x1FF70] =	vst v0;
	v0 =	vld [tilespmem:$0x1FDF0]  }
0x145: {  	[tilespmem:$0x1FE20] =	vst v1;
	v1 =	vld [tilespmem:s30+$0x18C0]  }
0x146: {  	v19 =	vld [tilespmem:s30+$0x4CF0]  }
0x147: {  	v28 =	vld [tilespmem:s30+$0x880]  }
0x148: {  	v22 =	vld [tilespmem:s30+$0x4880]  }
0x149: {  	v0 =	vsub.f32 v0, v5;
	v5 =	vld [tilespmem:$0x1FE20]  }
0x14a: {  	[tilespmem:$0x1FE30] =	vst v1;
	v1 =	vld [tilespmem:s30+$0x58C0]  }
0x14b: {  	[tilespmem:$0x1FF90] =	vst v0;
	v0 =	vld [tilespmem:$0x1FE10]  }
0x14c: {  	v23 =	vld [tilespmem:s30+$0x890]  }
0x14d: {  	v16 =	vld [tilespmem:s30+$0x4890]  }
0x14e: {  	v24 =	vld [tilespmem:s30+$0x8A0]  }
0x14f: {  	[tilespmem:$0x1FE40] =	vst v1;
	v1 =	vld [tilespmem:s30+$0x18D0]  }
0x150: {  	v0 =	vsub.f32 v0, v5;
	v5 =	vld [tilespmem:$0x1FE30]  }
0x151: {  	v9 =	vld [tilespmem:$0x1FE40]  }
0x152: {  	v21 =	vld [tilespmem:s30+$0x48A0]  }
0x153: {  	v15 =	vld [tilespmem:s30+$0x8B0]  }
0x154: {  	[tilespmem:$0x1FE50] =	vst v1;
	v1 =	vld [tilespmem:s30+$0x58D0]  }
0x155: {  	v8 =	vld [tilespmem:s30+$0x48B0]  }
0x156: {  	v7 =	vld [tilespmem:s30+$0x8C0];
	v5 =	vsub.f32 v5, v9  }
0x157: {  	[tilespmem:$0x1FE90] =	vst v3;
	v3 =	vld [tilespmem:s30+$0x1480]  }
0x158: {  	[tilespmem:$0x1FFB0] =	vst v5;
	v5 =	vld [tilespmem:$0x1FE50]  }
0x159: {  	[tilespmem:$0x1FE60] =	vst v1;
	v1 =	vld [tilespmem:s30+$0x18E0]  }
0x15a: {  	v9 =	vld [tilespmem:$0x1FE60]  }
0x15b: {  	[tilespmem:$0x1FEC0] =	vst v6;
	v6 =	vld [tilespmem:s30+$0x5490]  }
0x15c: {  	v42 =	vsub.f32 v41, v42;
	v41 =	vld [tilespmem:s30+$0x4080]  }
0x15d: {  	v18 =	vsub.f32 v18, v13;
	v13 =	vsub.f32 v43, v44;
	v43 =	vld [tilespmem:s30+$0x80]  }
0x15e: {  	[tilespmem:$0x1FE70] =	vst v1;
	v1 =	vld [tilespmem:s30+$0x58E0]  }
0x15f: {  	v5 =	vsub.f32 v5, v9;
	v9 =	vld [tilespmem:$0x1FE70]  }
0x160: {  	v44 =	vsub.f32 v49, v50;
	v49 =	vld [tilespmem:s30+$0x4090]  }
0x161: {  	v50 =	vsub.f32 v53, v54;
	v53 =	vsub.f32 v55, v56;
	v55 =	vld [tilespmem:s30+$0x4490]  }
0x162: {  	v30 =	vsub.f32 v30, v26;
	v26 =	vld [tilespmem:s30+$0xA0]  }
0x163: {  	[tilespmem:$0x1FEB0] =	vst v3;
	v3 =	vld [tilespmem:s30+$0x5480]  }
0x164: {  	v1 =	vsub.f32 v9, v1;
	v9 =	vld [tilespmem:$0x1FEB0]  }
0x165: {  	v4 =	vld [tilespmem:s30+$0x48C0]  }
0x166: {  	v2 =	vld [tilespmem:s30+$0x8D0]  }
0x167: {  	[tilespmem:$0x1FE80] =	vst v1;
	v1 =	vld [tilespmem:$0x1FE90]  }
0x168: {  	[tilespmem:$0x1FFA0] =	vst v0;
	v0 =	vld [tilespmem:s30+$0x48D0]  }
0x169: {  	[tilespmem:$0x1FFC0] =	vst v5;
	v5 =	vld [tilespmem:s30+$0x8E0];
	v3 =	vsub.f32 v9, v3  }
0x16a: {  	v9 =	vsub.f32 v45, v46;
	v46 =	vld [tilespmem:s30+$0x480]  }
0x16b: {  	v63 =	vsub.f32 v57, v60;
	v57 =	vsub.f32 v61, v62;
	[tilespmem:$0x1FF60] =	vst v3;
	v3 =	vld [tilespmem:$0x1FEC0]  }
0x16c: {  	v45 =	vsub.f32 v51, v52;
	v52 =	vld [tilespmem:s30+$0x490];
	v1 =	vsub.f32 v1, v11  }
0x16d: {  	v54 =	vsub.f32 v34, v32;
	[tilespmem:$0x1FED0] =	vst v9;
	v9 =	vsub.f32 v47, v48;
	v47 =	vld [tilespmem:s30+$0x4480]  }
0x16e: {  	v32 =	vsub.f32 v33, v29;
	v60 =	vsub.f32 v31, v20;
	v48 =	vld [tilespmem:s30+$0x90];
	[tilespmem:$0x1FEA0] =	vst v1  }
0x16f: {  	v22 =	vsub.f32 v28, v22;
	v1 =	vld [tilespmem:s30+$0x48E0];
	[tilespmem:$0x1FEE0] =	vst v9;
	v9 =	vsub.f32 v10, v58  }
0x170: {  	v58 =	vsub.f32 v25, v19;
	v25 =	vld [tilespmem:s30+$0x40A0];
	v3 =	vsub.f32 v3, v6  }
0x171: {  	v16 =	vsub.f32 v23, v16;
	v8 =	vsub.f32 v15, v8;
	v6 =	vld [tilespmem:s30+$0x8F0]  }
0x172: {  	v34 =	vsub.f32 v7, v4;
	v10 =	vsub.f32 v24, v21;
	[tilespmem:$0x1FF80] =	vst v3;
	v3 =	vld [tilespmem:s30+$0x48F0]  }
0x173: {  	v23 =	vld [tilespmem:s30+$0x4A0];
	v28 =	vsub.f32 v52, v55;
	v24 =	vsub.f32 v48, v49  }
0x174: {  	v15 =	vld [tilespmem:s30+$0x44A0];
	v33 =	vsub.f32 v2, v0;
	v29 =	vsub.f32 v5, v1  }
0x175: {  	v62 =	vld [tilespmem:s30+$0x4B0];
	v5 =	vsub.f32 v26, v25;
	v24 =	vmul.f32 v24, v24;
	v25 =	vmul.f32 v28, v28  }
0x176: {  	v7 =	vld [tilespmem:s30+$0x40B0];
	v2 =	vsub.f32 v43, v41;
	v4 =	vsub.f32 v46, v47  }
0x177: {  	v0 =	vld [tilespmem:s30+$0xB0];
	v31 =	vsub.f32 v6, v3;
	v3 =	vadd.f32 v25, v24;
	v6 =	vmul.f32 v16, v16  }
0x178: {  	v1 =	vld [tilespmem:s30+$0x44B0]  }
0x179: {  	v2 =	vmul.f32 v2, v2;
	v4 =	vmul.f32 v4, v4;
	v3 =	vadd.f32 v6, v3;
	v6 =	vld [tilespmem:$0x1FEF0]  }
0x17a: {  	v37 =	vld [tilespmem:s30+$0xCA0]  }
0x17b: {  	v35 =	vld [tilespmem:s30+$0x4CA0];
	v39 =	vsub.f32 v40, v39;
	v2 =	vadd.f32 v4, v2;
	v4 =	vmul.f32 v22, v22  }
0x17c: {  	v36 =	vsub.f32 v38, v36;
	v38 =	vld [tilespmem:s30+$0xC0];
	v56 =	vmul.f32 v53, v53;
	v0 =	vsub.f32 v0, v7  }
0x17d: {  	v53 =	vld [tilespmem:s30+$0xF0];
	v2 =	vadd.f32 v4, v2;
	v4 =	vmul.f32 v39, v39;
	v1 =	vsub.f32 v62, v1  }
0x17e: {  	v15 =	vsub.f32 v23, v15;
	v41 =	vld [tilespmem:s30+$0x40C0];
	v11 =	vmul.f32 v6, v6;
	v6 =	vmul.f32 v36, v36  }
0x17f: {  	v0 =	vmul.f32 v0, v0;
	v2 =	vadd.f32 v4, v2;
	v4 =	vld [tilespmem:$0x1FF00];
	v1 =	vmul.f32 v1, v1  }
0x180: {  	v3 =	vadd.f32 v6, v3;
	v6 =	vld [tilespmem:$0x1FF10]  }
0x181: {  	v7 =	vmul.f32 v15, v15;
	v5 =	vmul.f32 v5, v5;
	v0 =	vadd.f32 v1, v0;
	v1 =	vld [tilespmem:$0x1FF20]  }
0x182: {  	v51 =	vld [tilespmem:s30+$0x4E0]  }
0x183: {  	v5 =	vadd.f32 v7, v5;
	v7 =	vld [tilespmem:$0x1FF40]  }
0x184: {  	v61 =	vsub.f32 v12, v17;
	v12 =	vmul.f32 v4, v4;
	v4 =	vmul.f32 v10, v10;
	v10 =	vld [tilespmem:$0x1FF80]  }
0x185: {  	v52 =	vld [tilespmem:s30+$0x44E0];
	v23 =	vmul.f32 v6, v6;
	v6 =	vmul.f32 v44, v44  }
0x186: {  	v47 =	vld [tilespmem:s30+$0x40D0];
	v24 =	vmul.f32 v1, v1  }
0x187: {  	v1 =	vmul.f32 v45, v45;
	v2 =	vadd.f32 v6, v2;
	v6 =	vmul.f32 v8, v8;
	v8 =	vld [tilespmem:$0x1FF60]  }
0x188: {  	v35 =	vsub.f32 v37, v35;
	v46 =	vld [tilespmem:s30+$0x4D0]  }
0x189: {  	v17 =	vmul.f32 v7, v7;
	v7 =	vld [tilespmem:$0x1FF50];
	v1 =	vadd.f32 v1, v3;
	v10 =	vmul.f32 v10, v10  }
0x18a: {  	v5 =	vadd.f32 v4, v5;
	v4 =	vld [tilespmem:$0x1FF30];
	v3 =	vmul.f32 v35, v35  }
0x18b: {  	v1 =	vadd.f32 v10, v1;
	v10 =	vld [tilespmem:$0x1FFB0]  }
0x18c: {  	v3 =	vadd.f32 v3, v5;
	v5 =	vld [tilespmem:$0x1FF90];
	v8 =	vmul.f32 v8, v8  }
0x18d: {  	v27 =	vsub.f32 v27, v14;
	v0 =	vadd.f32 v6, v0;
	v6 =	vld [tilespmem:$0x1FF70]  }
0x18e: {  	v40 =	vmul.f32 v18, v18;
	v37 =	vmul.f32 v13, v13;
	v2 =	vadd.f32 v8, v2;
	v8 =	vld [tilespmem:$0x1FFA0]  }
0x18f: {  	v43 =	vmul.f32 v27, v27;
	v48 =	vld [tilespmem:s30+$0x44D0];
	v28 =	vmul.f32 v42, v42  }
0x190: {  	v7 =	vmul.f32 v7, v7;
	v22 =	vmul.f32 v10, v10;
	v10 =	vld [tilespmem:$0x1FFC0]  }
0x191: {  	v49 =	vld [tilespmem:s30+$0xE0];
	v21 =	vmul.f32 v4, v4;
	v36 =	vmul.f32 v5, v5  }
0x192: {  	v45 =	vld [tilespmem:s30+$0xD0];
	v5 =	vmul.f32 v54, v54;
	v6 =	vmul.f32 v6, v6  }
0x193: {  	v4 =	vld [tilespmem:s30+$0x44C0];
	v35 =	vmul.f32 v8, v8;
	v8 =	vmul.f32 v50, v50  }
0x194: {  	v44 =	vld [tilespmem:s30+$0x4C0];
	v54 =	vadd.f32 v5, v0;
	v0 =	vmul.f32 v9, v9;
	v39 =	vadd.f32 v7, v2  }
0x195: {  	s2 =	simm.s32 $0x100;
	s0 =	simm.s32 $0xFFFFC400;
	s31 =	simm.s32 $0x400;
	v14 =	vmul.f32 v10, v10;
	v42 =	vadd.f32 v6, v1;
	v50 =	vld [tilespmem:s30+$0x40E0];
	v55 =	vadd.f32 v8, v3  }
.LBB2_3:
0x196: {  	v1 =	vld [tilespmem:s30+$0x40F0]  }
0x197: {  	v6 =	vld [tilespmem:s30+$0x4F0]  }
0x198: {  	v26 =	vld [tilespmem:s30+$0x44F0];
	_ =	sdelay $0x1  }
0x199: {  	v5 =	vadd.f32 v43, v55;
	v2 =	vadd.f32 v56, v54;
	_ =	sdelay $0x1  }
0x19a: {  	v5 =	vadd.f32 v36, v5;
	v2 =	vadd.f32 v40, v2  }
0x19b: {  	v7 =	vmul.f32 v32, v32;
	v1 =	vsub.f32 v53, v1;
	v6 =	vsub.f32 v6, v26  }
0x19c: {  	v27 =	vmul.f32 v30, v30;
	v30 =	vsub.f32 v38, v41;
	v4 =	vsub.f32 v44, v4  }
0x19d: {  	v44 =	vsub.f32 v45, v47;
	v1 =	vmul.f32 v1, v1;
	v6 =	vmul.f32 v6, v6  }
0x19e: {  	v45 =	vsub.f32 v46, v48;
	v46 =	vsub.f32 v49, v50;
	v30 =	vmul.f32 v30, v30  }
0x19f: {  	v4 =	vmul.f32 v4, v4;
	v1 =	vadd.f32 v6, v1;
	v6 =	vmul.f32 v31, v31  }
0x1a0: {  	v43 =	vmul.f32 v34, v34;
	v47 =	vsub.f32 v51, v52;
	v5 =	vadd.f32 v23, v5  }
0x1a1: {  	v4 =	vadd.f32 v4, v30;
	v1 =	vadd.f32 v6, v1;
	v6 =	vmul.f32 v58, v58  }
0x1a2: {  	v2 =	vadd.f32 v35, v2;
	v34 =	vmul.f32 v44, v44;
	v35 =	vmul.f32 v45, v45  }
0x1a3: {  	v4 =	vadd.f32 v43, v4;
	v1 =	vadd.f32 v6, v1;
	v6 =	vmul.f32 v61, v61  }
0x1a4: {  	v26 =	vmul.f32 v46, v46;
	v48 =	vmul.f32 v47, v47;
	v23 =	vadd.f32 v35, v34  }
0x1a5: {  	v33 =	vmul.f32 v33, v33;
	v4 =	vadd.f32 v7, v4;
	v1 =	vadd.f32 v6, v1;
	v6 =	vld [tilespmem:$0x1FEE0]  }
0x1a6: {  	v2 =	vadd.f32 v24, v2;
	v24 =	vmul.f32 v29, v29;
	v26 =	vadd.f32 v48, v26  }
0x1a7: {  	v23 =	vadd.f32 v33, v23;
	v0 =	vadd.f32 v0, v4;
	v4 =	vld [tilespmem:$0x1FED0]  }
0x1a8: {  	v20 =	vmul.f32 v60, v60;
	v24 =	vadd.f32 v24, v26  }
0x1a9: {  	v3 =	vmul.f32 v63, v63;
	v7 =	vadd.f32 v27, v23  }
0x1aa: {  	v18 =	vmul.f32 v57, v57;
	v19 =	vadd.f32 v20, v24;
	v6 =	vmul.f32 v6, v6  }
0x1ab: {  	v9 =	vld [tilespmem:$0x1FE80];
	v3 =	vadd.f32 v3, v7  }
0x1ac: {  	v7 =	vadd.f32 v18, v19;
	v4 =	vmul.f32 v4, v4;
	v1 =	vadd.f32 v6, v1;
	v6 =	vld [tilespmem:$0x1FEA0];
	_ =	sdelay $0x1  }
0x1ad: {  	v4 =	vadd.f32 v4, v7;
	v7 =	vld [tilespmem:$0x1FD90]  }
0x1ae: {  	v0 =	vadd.f32 v28, v0  }
0x1af: {  	v25 =	vadd.f32 v12, v42;
	v12 =	vmul.f32 v9, v9;
	v3 =	vadd.f32 v37, v3  }
0x1b0: {  	v8 =	vadd.f32 v11, v39;
	v0 =	vadd.f32 v22, v0;
	v6 =	vmul.f32 v6, v6  }
0x1b1: {  	v3 =	vadd.f32 v14, v3;
	v4 =	vadd.f32 v12, v4  }
0x1b2: {  	v7 =	vmul.f32 v7, v7;
	v1 =	vadd.f32 v6, v1;
	v6 =	vmul.f32 v59, v59  }
0x1b3: {  	v0 =	vadd.f32 v21, v0;
	v3 =	vadd.f32 v17, v3  }
0x1b4: {  	v4 =	vadd.f32 v7, v4;
	v1 =	vadd.f32 v6, v1  }
0x1b5: {  	v2 =	vadd.f32 v2, v5;
	v0 =	vadd.f32 v3, v0  }
0x1b6: {  	v6 =	vadd.f32 v25, v8;
	v1 =	vadd.f32 v1, v4;
	_ =	sdelay $0x1  }
0x1b7: {  	s29 =	sadd.s32 $0x1, s29;
	v2 =	vadd.f32 v2, v6;
	v0 =	vadd.f32 v1, v0  }
0x1b8: {  	s30 =	sand.u32 $0x7, s29  }
0x1b9: {  	s31 =	sadd.s32 $0x400, s31;
	s30 =	sshll.u32 s30, $0x7;
	v0 =	vadd.f32 v0, v2  }
0x1ba: {  	s28 =	sadd.s32 $0x80, s28;
	s30 =	sadd.s32 s30, s31  }
0x1bb: {  	s24 =	sor.u32 $0x1C00, s30;
	[tilespmem:s28+$0x0] =	vst v0  }
0x1bc: {  	v0 =	vld [tilespmem:s24+$0x80]  }
0x1bd: {  	s4 =	sor.u32 $0x1C10, s30;
	v1 =	vld [tilespmem:s24+$0x4080]  }
0x1be: {  	v2 =	vld [tilespmem:s4+$0x80]  }
0x1bf: {  	v3 =	vld [tilespmem:s4+$0x4080];
	s4 =	sor.u32 $0x1C20, s30  }
0x1c0: {  	v4 =	vld [tilespmem:s4+$0x80]  }
0x1c1: {  	s24 =	sor.u32 $0x1C60, s30;
	v5 =	vld [tilespmem:s4+$0x4080]  }
0x1c2: {  	s4 =	sor.u32 $0x1C30, s30;
	v23 =	vld [tilespmem:s24+$0x80]  }
0x1c3: {  	v17 =	vld [tilespmem:s4+$0x80]  }
0x1c4: {  	v19 =	vld [tilespmem:s4+$0x4080];
	s4 =	sor.u32 $0x1C40, s30  }
0x1c5: {  	v20 =	vld [tilespmem:s4+$0x80]  }
0x1c6: {  	v21 =	vld [tilespmem:s4+$0x4080];
	s4 =	sor.u32 $0x1C50, s30  }
0x1c7: {  	s0 =	sadd.s32 $0x400, s0;
	v22 =	vld [tilespmem:s4+$0x80]  }
0x1c8: {  	v25 =	vld [tilespmem:s4+$0x4080];
	s4 =	sadd.s32 $0x4000, s0  }
0x1c9: {  	v24 =	vld [tilespmem:s24+$0x4080];
	s24 =	sor.u32 $0x1C70, s30;
	s30 =	sand.u32 $0x380, s2;
	s4 =	sand.u32 $0x2000, s4  }
0x1ca: {  	s30 =	sor.u32 s30, s4  }
0x1cb: {  	v6 =	vld [tilespmem:s30+$0x18B0];
	_ =	sdelay $0x4  }
0x1cc: {  	[tilespmem:$0x1F910] =	vst v6;
	v6 =	vld [tilespmem:s30+$0x58B0];
	_ =	sdelay $0x4  }
0x1cd: {  	[tilespmem:$0x1F920] =	vst v6;
	v6 =	vld [tilespmem:s30+$0x18C0];
	_ =	sdelay $0x4  }
0x1ce: {  	[tilespmem:$0x1F930] =	vst v6;
	v6 =	vld [tilespmem:s30+$0x58C0];
	_ =	sdelay $0x4  }
0x1cf: {  	[tilespmem:$0x1F940] =	vst v6;
	v6 =	vld [tilespmem:s30+$0x18D0];
	_ =	sdelay $0x2  }
0x1d0: {  	v27 =	vld [tilespmem:s24+$0x80]  }
0x1d1: {  	v58 =	vld [tilespmem:s24+$0x4080]  }
0x1d2: {  	[tilespmem:$0x1F950] =	vst v6;
	v6 =	vld [tilespmem:s30+$0x58D0]  }
0x1d3: {  	v57 =	vld [tilespmem:s30+$0x1880]  }
0x1d4: {  	v60 =	vld [tilespmem:s30+$0x5880]  }
0x1d5: {  	v61 =	vld [tilespmem:s30+$0x1890]  }
0x1d6: {  	v26 =	vld [tilespmem:s30+$0x5890]  }
0x1d7: {  	[tilespmem:$0x1F960] =	vst v6;
	v6 =	vld [tilespmem:s30+$0x18E0]  }
0x1d8: {  	v62 =	vld [tilespmem:s30+$0x18A0]  }
0x1d9: {  	v63 =	vld [tilespmem:s30+$0x58A0]  }
0x1da: {  	v14 =	vld [tilespmem:s30+$0x54D0]  }
0x1db: {  	v36 =	vld [tilespmem:s30+$0x54F0]  }
0x1dc: {  	[tilespmem:$0x1F970] =	vst v6;
	v6 =	vld [tilespmem:s30+$0x58E0]  }
0x1dd: {  	v56 =	vld [tilespmem:s30+$0x1080]  }
0x1de: {  	v55 =	vld [tilespmem:s30+$0x5080]  }
0x1df: {  	v52 =	vld [tilespmem:s30+$0x1090]  }
0x1e0: {  	v35 =	vld [tilespmem:s30+$0x5090]  }
0x1e1: {  	[tilespmem:$0x1F980] =	vst v6;
	v6 =	vld [tilespmem:s30+$0x18F0]  }
0x1e2: {  	v0 =	vsub.f32 v0, v1;
	v51 =	vld [tilespmem:s30+$0x50A0]  }
0x1e3: {  	v1 =	vsub.f32 v2, v3;
	v3 =	vsub.f32 v17, v19;
	v17 =	vld [tilespmem:$0x1F910]  }
0x1e4: {  	v19 =	vld [tilespmem:$0x1F920]  }
0x1e5: {  	v53 =	vld [tilespmem:s30+$0x10B0]  }
0x1e6: {  	[tilespmem:$0x1F990] =	vst v6;
	v6 =	vld [tilespmem:s30+$0x58F0]  }
0x1e7: {  	v48 =	vld [tilespmem:s30+$0x50B0]  }
0x1e8: {  	v54 =	vld [tilespmem:s30+$0x50C0];
	v60 =	vsub.f32 v57, v60  }
0x1e9: {  	v57 =	vsub.f32 v62, v63;
	v62 =	vsub.f32 v17, v19;
	v17 =	vld [tilespmem:$0x1F930]  }
0x1ea: {  	v19 =	vld [tilespmem:$0x1F940]  }
0x1eb: {  	[tilespmem:$0x1F9A0] =	vst v6;
	v6 =	vld [tilespmem:s30+$0x1480]  }
0x1ec: {  	v50 =	vld [tilespmem:s30+$0x10D0]  }
0x1ed: {  	v46 =	vld [tilespmem:s30+$0x50D0]  }
0x1ee: {  	v49 =	vld [tilespmem:s30+$0x10E0]  }
0x1ef: {  	v63 =	vsub.f32 v17, v19;
	v17 =	vld [tilespmem:$0x1F950]  }
0x1f0: {  	[tilespmem:$0x1F9B0] =	vst v6;
	v6 =	vld [tilespmem:s30+$0x5480]  }
0x1f1: {  	v19 =	vld [tilespmem:$0x1F960]  }
0x1f2: {  	v47 =	vld [tilespmem:s30+$0x50E0]  }
0x1f3: {  	v44 =	vld [tilespmem:s30+$0x10F0]  }
0x1f4: {  	v42 =	vld [tilespmem:s30+$0x50F0]  }
0x1f5: {  	[tilespmem:$0x1F9C0] =	vst v6;
	v6 =	vld [tilespmem:s30+$0x1490]  }
0x1f6: {  	v59 =	vsub.f32 v27, v58;
	v58 =	vsub.f32 v17, v19;
	v17 =	vld [tilespmem:$0x1F970]  }
0x1f7: {  	v19 =	vld [tilespmem:$0x1F980]  }
0x1f8: {  	v45 =	vld [tilespmem:s30+$0xC80]  }
0x1f9: {  	v41 =	vld [tilespmem:s30+$0x4C80]  }
0x1fa: {  	[tilespmem:$0x1F9D0] =	vst v6;
	v6 =	vld [tilespmem:s30+$0x5490]  }
0x1fb: {  	v38 =	vld [tilespmem:s30+$0xC90]  }
0x1fc: {  	v37 =	vld [tilespmem:s30+$0x4C90];
	v19 =	vsub.f32 v17, v19  }
0x1fd: {  	v17 =	vld [tilespmem:$0x1F990]  }
0x1fe: {  	[tilespmem:$0x1FE80] =	vst v19;
	v19 =	vld [tilespmem:$0x1F9A0]  }
0x1ff: {  	[tilespmem:$0x1F9E0] =	vst v6;
	v6 =	vld [tilespmem:s30+$0x14A0]  }
0x200: {  	v43 =	vld [tilespmem:s30+$0xCA0]  }
0x201: {  	v39 =	vld [tilespmem:s30+$0x4CA0]  }
0x202: {  	v34 =	vld [tilespmem:s30+$0xCB0]  }
0x203: {  	v33 =	vld [tilespmem:s30+$0x4CB0]  }
0x204: {  	v19 =	vsub.f32 v17, v19;
	[tilespmem:$0x1F9F0] =	vst v6;
	v6 =	vld [tilespmem:s30+$0x54A0]  }
0x205: {  	v17 =	vld [tilespmem:$0x1F9B0]  }
0x206: {  	[tilespmem:$0x1FEA0] =	vst v19;
	v19 =	vld [tilespmem:$0x1F9C0]  }
0x207: {  	v40 =	vld [tilespmem:s30+$0xCC0]  }
0x208: {  	v32 =	vld [tilespmem:s30+$0x4CC0]  }
0x209: {  	v0 =	vmul.f32 v0, v0;
	[tilespmem:$0x1FA00] =	vst v6;
	v6 =	vld [tilespmem:s30+$0x14B0]  }
0x20a: {  	v30 =	vld [tilespmem:s30+$0xCD0]  }
0x20b: {  	[tilespmem:$0x1FAC0] =	vst v0;
	v0 =	vsub.f32 v23, v24;
	v23 =	vsub.f32 v17, v19;
	v17 =	vld [tilespmem:$0x1F9D0]  }
0x20c: {  	v19 =	vld [tilespmem:$0x1F9E0]  }
0x20d: {  	v18 =	vld [tilespmem:s30+$0x4CD0]  }
0x20e: {  	[tilespmem:$0x1FA10] =	vst v6;
	v6 =	vld [tilespmem:s30+$0x54B0]  }
0x20f: {  	v31 =	vld [tilespmem:s30+$0xCE0]  }
0x210: {  	v29 =	vld [tilespmem:s30+$0x4CE0]  }
0x211: {  	v24 =	vsub.f32 v17, v19;
	v19 =	vld [tilespmem:$0x1F9F0]  }
0x212: {  	v2 =	vsub.f32 v4, v5;
	v4 =	vsub.f32 v20, v21;
	v21 =	vld [tilespmem:$0x1FA00]  }
0x213: {  	[tilespmem:$0x1FA20] =	vst v6;
	v6 =	vld [tilespmem:s30+$0x14C0]  }
0x214: {  	v28 =	vld [tilespmem:s30+$0xCF0]  }
0x215: {  	v15 =	vld [tilespmem:s30+$0x4CF0]  }
0x216: {  	v16 =	vld [tilespmem:s30+$0x880]  }
0x217: {  	v21 =	vsub.f32 v19, v21;
	v19 =	vld [tilespmem:$0x1FA10]  }
0x218: {  	[tilespmem:$0x1FA30] =	vst v6;
	v6 =	vld [tilespmem:s30+$0x54C0]  }
0x219: {  	v25 =	vsub.f32 v22, v25;
	v22 =	vld [tilespmem:$0x1FA20]  }
0x21a: {  	v13 =	vld [tilespmem:s30+$0x4880]  }
0x21b: {  	v11 =	vld [tilespmem:s30+$0x890]  }
0x21c: {  	v10 =	vld [tilespmem:s30+$0x4890]  }
0x21d: {  	[tilespmem:$0x1FA40] =	vst v6;
	v6 =	vld [tilespmem:s30+$0x14D0]  }
0x21e: {  	v12 =	vld [tilespmem:s30+$0x8A0];
	v22 =	vsub.f32 v19, v22;
	v19 =	vmul.f32 v60, v60  }
0x21f: {  	v9 =	vld [tilespmem:s30+$0x48A0]  }
0x220: {  	[tilespmem:$0x1FB10] =	vst v19;
	v19 =	vld [tilespmem:$0x1FA30]  }
0x221: {  	v60 =	vld [tilespmem:$0x1FA40]  }
0x222: {  	[tilespmem:$0x1FA50] =	vst v6;
	v6 =	vld [tilespmem:s30+$0x14E0]  }
0x223: {  	v8 =	vld [tilespmem:s30+$0x8B0]  }
0x224: {  	v7 =	vld [tilespmem:s30+$0x8C0]  }
0x225: {  	v5 =	vld [tilespmem:s30+$0x48C0]  }
0x226: {  	v19 =	vsub.f32 v19, v60;
	v60 =	vld [tilespmem:$0x1FA50]  }
0x227: {  	v1 =	vmul.f32 v1, v1;
	[tilespmem:$0x1FA60] =	vst v6;
	v6 =	vld [tilespmem:s30+$0x54E0]  }
0x228: {  	v20 =	vld [tilespmem:s30+$0x8D0];
	v2 =	vmul.f32 v2, v2  }
0x229: {  	[tilespmem:$0x1FAB0] =	vst v1;
	v1 =	vld [tilespmem:s30+$0x8E0]  }
0x22a: {  	[tilespmem:$0x1FAD0] =	vst v2;
	v2 =	vld [tilespmem:s30+$0x48E0]  }
0x22b: {  	v27 =	vmul.f32 v4, v4;
	v4 =	vld [tilespmem:s30+$0x48F0];
	[tilespmem:$0x1FD90] =	vst v0;
	v61 =	vsub.f32 v61, v26;
	v14 =	vsub.f32 v60, v14  }
0x22c: {  	v3 =	vmul.f32 v3, v3;
	[tilespmem:$0x1FA70] =	vst v6;
	v6 =	vld [tilespmem:s30+$0x14F0]  }
0x22d: {  	v0 =	vld [tilespmem:s30+$0x48D0];
	[tilespmem:$0x1FAF0] =	vst v14;
	v14 =	vmul.f32 v61, v61  }
0x22e: {  	[tilespmem:$0x1FAE0] =	vst v3;
	v3 =	vld [tilespmem:s30+$0x8F0]  }
0x22f: {  	[tilespmem:$0x1FB20] =	vst v14;
	v14 =	vld [tilespmem:$0x1FA60]  }
0x230: {  	v60 =	vld [tilespmem:$0x1FA70]  }
0x231: {  	[tilespmem:$0x1FA80] =	vst v6;
	v6 =	vld [tilespmem:s30+$0x10A0]  }
0x232: {  	v26 =	vld [tilespmem:s30+$0x80]  }
0x233: {  	v55 =	vsub.f32 v56, v55;
	v56 =	vld [tilespmem:s30+$0x90]  }
0x234: {  	v53 =	vsub.f32 v53, v48;
	v48 =	vld [tilespmem:s30+$0x4090]  }
0x235: {  	v60 =	vsub.f32 v14, v60;
	v14 =	vld [tilespmem:$0x1FA80]  }
0x236: {  	[tilespmem:$0x1FA90] =	vst v6;
	v6 =	vld [tilespmem:s30+$0x10C0]  }
0x237: {  	v44 =	vsub.f32 v44, v42;
	v42 =	vld [tilespmem:s30+$0x4490]  }
0x238: {  	v47 =	vsub.f32 v49, v47;
	v49 =	vld [tilespmem:s30+$0xA0]  }
0x239: {  	v30 =	vsub.f32 v30, v18;
	v18 =	vld [tilespmem:s30+$0x4A0]  }
0x23a: {  	v17 =	vmul.f32 v25, v25;
	v25 =	vld [tilespmem:s30+$0x4080]  }
0x23b: {  	v36 =	vsub.f32 v14, v36;
	v14 =	vld [tilespmem:$0x1FA90];
	[tilespmem:$0x1FAA0] =	vst v6  }
0x23c: {  	v52 =	vsub.f32 v52, v35;
	v41 =	vsub.f32 v45, v41;
	[tilespmem:$0x1FED0] =	vst v60;
	v60 =	vld [tilespmem:$0x1FAA0]  }
0x23d: {  	v37 =	vsub.f32 v38, v37;
	v39 =	vsub.f32 v43, v39;
	v6 =	vld [tilespmem:s30+$0x48B0]  }
0x23e: {  	v13 =	vsub.f32 v16, v13;
	v10 =	vsub.f32 v11, v10;
	v61 =	vld [tilespmem:s30+$0x480]  }
0x23f: {  	v9 =	vsub.f32 v12, v9;
	v43 =	vmul.f32 v21, v21;
	[tilespmem:$0x1FEE0] =	vst v36;
	v36 =	vmul.f32 v57, v57;
	v57 =	vld [tilespmem:s30+$0x4480]  }
0x240: {  	v16 =	vld [tilespmem:s30+$0xB0];
	v51 =	vsub.f32 v14, v51;
	v14 =	vmul.f32 v63, v63;
	v63 =	vsub.f32 v50, v46  }
0x241: {  	v21 =	vld [tilespmem:s30+$0x40A0];
	v50 =	vmul.f32 v58, v58;
	v58 =	vsub.f32 v28, v15;
	v54 =	vsub.f32 v60, v54  }
0x242: {  	v15 =	vld [tilespmem:s30+$0x44A0];
	v6 =	vsub.f32 v8, v6;
	v60 =	vsub.f32 v31, v29  }
0x243: {  	v12 =	vld [tilespmem:s30+$0x40B0];
	v11 =	vmul.f32 v55, v55;
	[tilespmem:$0x1FB00] =	vst v54;
	v54 =	vsub.f32 v34, v33;
	v34 =	vsub.f32 v7, v5  }
0x244: {  	v28 =	vmul.f32 v19, v19;
	v19 =	vld [tilespmem:s30+$0x4B0];
	v5 =	vsub.f32 v26, v25;
	v7 =	vsub.f32 v61, v57  }
0x245: {  	v13 =	vmul.f32 v13, v13;
	v29 =	vsub.f32 v1, v2;
	v25 =	vsub.f32 v56, v48;
	v56 =	vld [tilespmem:s30+$0x44B0]  }
0x246: {  	v38 =	vld [tilespmem:s30+$0xC0];
	v2 =	vsub.f32 v49, v21;
	v5 =	vmul.f32 v5, v5;
	v7 =	vmul.f32 v7, v7  }
0x247: {  	v45 =	vld [tilespmem:s30+$0xD0];
	v9 =	vmul.f32 v9, v9;
	v15 =	vsub.f32 v18, v15;
	v31 =	vsub.f32 v3, v4  }
0x248: {  	v46 =	vld [tilespmem:s30+$0x490];
	v8 =	vmul.f32 v52, v52;
	v33 =	vsub.f32 v20, v0;
	v3 =	vadd.f32 v7, v5  }
0x249: {  	v52 =	vld [tilespmem:s30+$0x44E0];
	v2 =	vmul.f32 v2, v2;
	v5 =	vsub.f32 v16, v12;
	v7 =	vmul.f32 v15, v15  }
0x24a: {  	v4 =	vld [tilespmem:s30+$0x44C0];
	v0 =	vmul.f32 v41, v41;
	v12 =	vsub.f32 v19, v56;
	v3 =	vadd.f32 v13, v3  }
0x24b: {  	v23 =	vmul.f32 v23, v23;
	v49 =	vld [tilespmem:s30+$0xE0];
	v6 =	vmul.f32 v6, v6;
	v2 =	vadd.f32 v7, v2  }
0x24c: {  	v41 =	vld [tilespmem:s30+$0x40C0];
	v5 =	vmul.f32 v5, v5;
	v7 =	vmul.f32 v12, v12;
	v0 =	vadd.f32 v0, v3  }
0x24d: {  	v26 =	vsub.f32 v46, v42;
	v61 =	vmovc v44;
	v44 =	vld [tilespmem:s30+$0x4C0];
	v3 =	vmul.f32 v39, v39;
	v2 =	vadd.f32 v9, v2  }
0x24e: {  	v57 =	vmovc v47;
	v47 =	vld [tilespmem:s30+$0x40D0];
	v1 =	vmul.f32 v25, v25;
	v5 =	vadd.f32 v7, v5;
	v0 =	vadd.f32 v11, v0  }
0x24f: {  	v46 =	vld [tilespmem:s30+$0x4D0];
	v20 =	vmul.f32 v26, v26;
	v7 =	vmul.f32 v51, v51;
	v2 =	vadd.f32 v3, v2  }
0x250: {  	v5 =	vadd.f32 v6, v5;
	v6 =	vadd.f32 v23, v0;
	v0 =	vld [tilespmem:$0x1FAF0]  }
0x251: {  	v10 =	vmul.f32 v10, v10;
	v1 =	vadd.f32 v20, v1;
	v55 =	vadd.f32 v7, v2;
	v2 =	vld [tilespmem:$0x1FB10]  }
0x252: {  	v32 =	vsub.f32 v40, v32;
	v40 =	vmul.f32 v22, v22;
	v48 =	vld [tilespmem:s30+$0x44D0]  }
0x253: {  	v22 =	vmul.f32 v37, v37;
	v56 =	vmul.f32 v53, v53;
	v53 =	vld [tilespmem:s30+$0xF0];
	v1 =	vadd.f32 v10, v1  }
0x254: {  	v12 =	vld [tilespmem:$0x1FAB0]  }
0x255: {  	v1 =	vadd.f32 v22, v1;
	v37 =	vmul.f32 v0, v0;
	v0 =	vld [tilespmem:$0x1FB00]  }
0x256: {  	p0 =	sne.s32 s2, $0x780;
	v39 =	vadd.f32 v2, v6;
	v2 =	vld [tilespmem:$0x1FB20]  }
.Ltmp0:
0x257: {  	v24 =	vmul.f32 v24, v24;
	v22 =	vmovc v14;
	v14 =	vmov v50;
	v50 =	vld [tilespmem:s30+$0x40E0];
	v1 =	vadd.f32 v8, v1;
	(pc) =	sbr.rel @p0 .LBB2_3-.Ltmp0, $4  }
0x258: {  	v51 =	vld [tilespmem:s30+$0x4E0]  }
0x259: {  	v11 =	vld [tilespmem:$0x1FAC0];
	v3 =	vmul.f32 v54, v54;
	v1 =	vadd.f32 v24, v1  }
0x25a: {  	v35 =	vmul.f32 v62, v62;
	v23 =	vld [tilespmem:$0x1FAD0]  }
0x25b: {  	s2 =	sadd.s32 $0x80, s2;
	v21 =	vmovc v27;
	v24 =	vld [tilespmem:$0x1FAE0];
	v54 =	vadd.f32 v3, v5;
	v0 =	vmul.f32 v0, v0;
	v42 =	vadd.f32 v2, v1  }
0x25c: {  	v1 =	vld [tilespmem:s30+$0x40F0];
	v3 =	vmul.f32 v63, v63;
	v5 =	vadd.f32 v43, v55;
	v43 =	vsub.f32 v38, v41  }
0x25d: {  	v6 =	vld [tilespmem:s30+$0x4F0];
	v7 =	vmul.f32 v32, v32;
	v4 =	vsub.f32 v44, v4;
	v15 =	vsub.f32 v45, v47  }
0x25e: {  	v10 =	vld [tilespmem:s30+$0x44F0];
	v13 =	vmul.f32 v34, v34;
	v18 =	vsub.f32 v46, v48;
	v19 =	vsub.f32 v49, v50  }
0x25f: {  	v16 =	vmul.f32 v33, v33;
	v2 =	vadd.f32 v56, v54;
	v9 =	vadd.f32 v12, v42  }
0x260: {  	v20 =	vsub.f32 v51, v52;
	v12 =	vmul.f32 v43, v43;
	v4 =	vmul.f32 v4, v4  }
0x261: {  	v47 =	vmul.f32 v29, v29;
	v8 =	vadd.f32 v11, v39;
	v5 =	vadd.f32 v36, v5  }
0x262: {  	v15 =	vmul.f32 v15, v15;
	v18 =	vmul.f32 v18, v18;
	v4 =	vadd.f32 v4, v12  }
0x263: {  	v44 =	vmul.f32 v19, v19;
	v1 =	vsub.f32 v53, v1;
	v6 =	vsub.f32 v6, v10  }
0x264: {  	v2 =	vadd.f32 v40, v2;
	v45 =	vmul.f32 v20, v20;
	v4 =	vadd.f32 v13, v4  }
0x265: {  	v5 =	vadd.f32 v23, v5;
	v1 =	vmul.f32 v1, v1;
	v6 =	vmul.f32 v6, v6  }
0x266: {  	v48 =	vmul.f32 v31, v31;
	v46 =	vadd.f32 v18, v15;
	v4 =	vadd.f32 v7, v4  }
0x267: {  	v49 =	vmul.f32 v60, v60;
	v55 =	vld [tilespmem:$0x1FEE0];
	v10 =	vadd.f32 v45, v44;
	v1 =	vadd.f32 v6, v1  }
0x268: {  	v42 =	vmul.f32 v30, v30;
	v12 =	vadd.f32 v16, v46;
	v0 =	vadd.f32 v0, v4;
	v4 =	vld [tilespmem:$0x1FED0]  }
0x269: {  	v50 =	vmul.f32 v58, v58;
	v56 =	vld [tilespmem:$0x1FE80];
	v10 =	vadd.f32 v47, v10;
	v1 =	vadd.f32 v48, v1  }
0x26a: {  	v52 =	vmul.f32 v57, v57;
	v57 =	vld [tilespmem:$0x1FEA0];
	v2 =	vadd.f32 v35, v2;
	v51 =	vadd.f32 v42, v12  }
0x26b: {  	v53 =	vmul.f32 v61, v61;
	v10 =	vadd.f32 v49, v10;
	v1 =	vadd.f32 v50, v1  }
0x26c: {  	v58 =	vld [tilespmem:$0x1FD90];
	v2 =	vadd.f32 v24, v2;
	v6 =	vmul.f32 v55, v55;
	v3 =	vadd.f32 v3, v51  }
0x26d: {  	v54 =	vadd.f32 v52, v10;
	v4 =	vmul.f32 v4, v4;
	v1 =	vadd.f32 v53, v1  }
0x26e: {  	v10 =	vmul.f32 v56, v56;
	v0 =	vadd.f32 v28, v0;
	v3 =	vadd.f32 v37, v3  }
0x26f: {  	v4 =	vadd.f32 v4, v54;
	v1 =	vadd.f32 v6, v1;
	v6 =	vmul.f32 v57, v57  }
0x270: {  	v60 =	vmul.f32 v59, v59;
	v0 =	vadd.f32 v22, v0;
	v3 =	vadd.f32 v14, v3  }
0x271: {  	v7 =	vmul.f32 v58, v58;
	v4 =	vadd.f32 v10, v4;
	v1 =	vadd.f32 v6, v1  }
0x272: {  	v0 =	vadd.f32 v21, v0;
	v3 =	vadd.f32 v17, v3  }
0x273: {  	v4 =	vadd.f32 v7, v4;
	v1 =	vadd.f32 v60, v1  }
0x274: {  	v61 =	vadd.f32 v9, v8;
	v2 =	vadd.f32 v2, v5  }
0x275: {  	v0 =	vadd.f32 v3, v0;
	v3 =	vlaneseq.u32;
	v1 =	vadd.f32 v1, v4  }
0x276: {  	v3 =	vmul.u32 $0x80, v3  }
0x277: {  	v2 =	vadd.f32 v2, v61;
	v0 =	vadd.f32 v1, v0;
	_ =	sdelay $0x1  }
0x278: {  	v1 =	vor.u32 $0x1, v3;
	v0 =	vadd.f32 v0, v2  }
0x279: {  	s0 =	sadd.s32 $0x80, s28  }
0x27a: {  	[tilespmem:s0+$0x0] =	vst v0;
	v0 =	vor.u32 $0x2, v3  }
0x27b: {  	v2 =	vld.idx.msk [tilespmem:v3+s23+$0x0], $0xffff  }
0x27c: {  	v4 =	vor.u32 $0x3, v3  }
0x27d: {  	v1 =	vld.idx.msk [tilespmem:v1+s23+$0x0], $0xffff  }
0x27e: {  	v5 =	vor.u32 $0x4, v3  }
0x27f: {  	v0 =	vld.idx.msk [tilespmem:v0+s23+$0x0], $0xffff  }
0x280: {  	v62 =	vor.u32 $0x5, v3;
	v2 =	vadd.f32 $0.0e+00, v2  }
0x281: {  	v4 =	vld.idx.msk [tilespmem:v4+s23+$0x0], $0xffff  }
0x282: {  	v1 =	vadd.f32 v1, v2;
	v2 =	vor.u32 $0x6, v3  }
0x283: {  	v5 =	vld.idx.msk [tilespmem:v5+s23+$0x0], $0xffff  }
0x284: {  	v0 =	vadd.f32 v0, v1;
	v1 =	vor.u32 $0x7, v3  }
0x285: {  	v6 =	vld.idx.msk [tilespmem:v62+s23+$0x0], $0xffff  }
0x286: {  	v0 =	vadd.f32 v4, v0;
	v4 =	vor.u32 $0x8, v3  }
0x287: {  	v2 =	vld.idx.msk [tilespmem:v2+s23+$0x0], $0xffff  }
0x288: {  	v0 =	vadd.f32 v5, v0;
	v5 =	vor.u32 $0x9, v3  }
0x289: {  	v1 =	vld.idx.msk [tilespmem:v1+s23+$0x0], $0xffff  }
0x28a: {  	v63 =	vor.u32 $0xA, v3;
	v0 =	vadd.f32 v6, v0  }
0x28b: {  	v4 =	vld.idx.msk [tilespmem:v4+s23+$0x0], $0xffff  }
0x28c: {  	v0 =	vadd.f32 v2, v0;
	v2 =	vor.u32 $0xB, v3  }
0x28d: {  	v5 =	vld.idx.msk [tilespmem:v5+s23+$0x0], $0xffff  }
0x28e: {  	v0 =	vadd.f32 v1, v0;
	v1 =	vor.u32 $0xC, v3  }
0x28f: {  	v6 =	vld.idx.msk [tilespmem:v63+s23+$0x0], $0xffff  }
0x290: {  	v0 =	vadd.f32 v4, v0;
	v4 =	vor.u32 $0xD, v3  }
0x291: {  	v2 =	vld.idx.msk [tilespmem:v2+s23+$0x0], $0xffff  }
0x292: {  	v0 =	vadd.f32 v5, v0  }
0x293: {  	v1 =	vld.idx.msk [tilespmem:v1+s23+$0x0], $0xffff  }
0x294: {  	v0 =	vadd.f32 v6, v0  }
0x295: {  	v4 =	vld.idx.msk [tilespmem:v4+s23+$0x0], $0xffff  }
0x296: {  	v0 =	vadd.f32 v2, v0;
	_ =	sdelay $0x1  }
0x297: {  	v5 =	vor.u32 $0xE, v3;
	v0 =	vadd.f32 v1, v0;
	_ =	sdelay $0x1  }
0x298: {  	v3 =	vor.u32 $0xF, v3;
	v0 =	vadd.f32 v4, v0;
	v4 =	vld [tilespmem:$0x1FD20];
	_ =	sdelay $0x2  }
0x299: {  	v1 =	vld.idx.msk [tilespmem:v5+s23+$0x0], $0xffff;
	_ =	sdelay $0x1  }
0x29a: {  	v2 =	vld.idx.msk [tilespmem:v3+s23+$0x0], $0xffff;
	vm1 =	veq.s32 v4, $0x1F;
	vm2 =	veq.s32 v4, $0x14  }
0x29b: {  	v3 =	vand.u32 $0xFFFFFFF7, v4;
	vm1 =	vmor vm1, vm2;
	vm2 =	veq.s32 v4, $0x30  }
0x29c: {  	vm1 =	vmor vm2, vm1;
	vm2 =	veq.s32 v3, $0x16  }
0x29d: {  	v0 =	vadd.f32 v1, v0;
	vm1 =	vmor vm2, vm1;
	vm2 =	veq.s32 v4, $0x1D  }
0x29e: {  	vm1 =	vmor vm2, vm1;
	vm2 =	veq.s32 v4, $0x8  }
0x29f: {  	v0 =	vadd.f32 v2, v0;
	vm1 =	vmor vm2, vm1;
	vm2 =	veq.s32 v4, $0x32  }
0x2a0: {  	v2 =	vld [tilespmem:$0x1FB40];
	vm1 =	vmor vm2, vm1;
	vm2 =	veq.s32 v4, $0x15  }
0x2a1: {  	vm3 =	veq.s32 v4, $0x0;
	v0 =	vmax.f32 v0, $9.999999930e-09;
	vm1 =	vmor vm2, vm1  }
0x2a2: {  	v0 =	vmin.f32 v0, $1.000000000e+08;
	vm1 =	vmor vm3, vm1  }
0x2a3: {  	v3 =	vld [tilespmem:$0x1FB30];
	v1 =	vsel vm3, $0x0, v0;
	v0 =	vnsel vm1, $0x322BCC77, v0  }
0x2a4: {  	s26 =	sadd.s32 $0x1, s26;
	v0 =	vsel vm3, $0x0, v0  }
0x2a5: {  	p0 =	sne.s32 s26, $0x8;
	v2 =	vadd.f32 v0, v2;
	v0 =	vld [tilespmem:$0x1FB50]  }
.Ltmp1:
0x2a6: {  	_ = 	snop;
	(pc) =	sbr.rel @p0 .LBB2_2-.Ltmp1, $4  }
0x2a7: {  	_ = 	snop  }
0x2a8: {  	v3 =	vadd.f32 v1, v3;
	v1 =	vimm.f32 $1.000000000e+00  }
0x2a9: {  	v1 =	vsel vm3, $0x0, v1  }
0x2aa: {  	v0 =	vadd.f32 v1, v0  }
0x2ab: {  	[tilespmem:$0x8880] =	vst v3;
	s25 =	sadd.s32 $0x1, s25  }
0x2ac: {  	[tilespmem:$0x8900] =	vst v2;
	p0 =	sne.s32 s25, s11  }
.Ltmp2:
0x2ad: {  	s24 =	simm.s32 $0x0;
	s0 =	simm.s32 $0x8880;
	[tilespmem:$0x8980] =	vst v0;
	(pc) =	sbr.rel @p0 .LBB2_1-.Ltmp2, $4  }
0x2ae: {  	[hbm4b:s10+s24] =	stream.linear.scatter [tilespmem:s0], [sflag:$0x2], $0x180, $0x38;
	[tilespmem:$0x8A80] =	vst v63  }
0x2af: {  	_ =	swait.ge [sflag:s12], $0x180  }
0x2b0: {  	[sflag:s12] =	ssyncset.done $0x0  }
0x2b1: {  	[sflag:s12] =	ssyncadd.s32 $0xFFFFFE80  }
0x2b2: {  	_ =	sfence.sel $0x180000  }
0x2b3: {  	[bflag:$0x0] =	sbarrier.arrive $0xFFFF  }
0x2b4: {  	_ =	strace $0x90000047  }
0x2b5: {  	s0 =	stileid.u32;
	[bflag:$0x2] =	sbarrier.arrive $0xFFFF  }
0x2b6: {  	p0 =	sne.s32 s0, $0x0;
	s0 =	rddreg [dreg:$0x3]  }
0x2b7: {  	s0 =	sadd.s32 @!p0 $0x100000, s0  }
0x2b8: {  	[sflag:s0] =	ssyncadd.tile.s32 @!p0 $0x1;
	_ =	shalt  }
.Lfunc_end2:
_tile_overlayer_lowered:
.L_overlay_start_2:
0x2b9: {  	(tag) =	ssettag $0x2  }
0x2ba: {  	s0 =	rddreg [dreg:$0x0];
	s2 =	stileid.u32  }
0x2bb: {  	s1 =	rddreg [dreg:$0x1];
	p0 =	sne.s32 s2, $0x0  }
0x2bc: {  	s3 =	rddreg [dreg:$0x2];
	[bflag:$0x3] =	sbarrier.arrive $0xFFFF;
	s2 =	simm.s32 @!p0 $0x1C02  }
0x2bd: {  	[timem:s3], [sflag:s2] =	dma.local @!p0 [hbm:s0], s1  }
0x2be: {  	s0 =	simm.s32 @!p0 $0x2  }
0x2bf: {  	_ =	swait.ge @!p0 [sflag:s0], s1  }
0x2c0: {  	s1 =	ssub.s32 @!p0 $0x0, s1;
	[sflag:s0] =	ssyncset.done @!p0 $0x0  }
0x2c1: {  	[sflag:s0] =	ssyncadd.s32 @!p0 s1  }
0x2c2: {  	[bflag:$0x3] =	sbarrier.arrive $0xFFFF  }
0x2c3: {  	_ =	shalt  }

</sc_bundles>
